<compile_context>
chip_gen: v7x
topology: tpu7x:2x2x1
jax: 0.10.2.dev20260603
libtpu: 0.0.44.dev20260713+nightly
codegen_flags: <defaults>
</compile_context>

<pallas_src>
import functools

import jax
import jax.numpy as jnp
from jax import lax
from jax.experimental import pallas as pl
from jax.experimental.pallas import tpu as pltpu
from jax.experimental.pallas import tpu_sc as plsc

NC = 2
NS = 16
NW = NC * NS

CHUNK = 16
NBUF = 3
LG = 2


def _make_fused_gather(total, d):
    assert total % NW == 0
    b_per_w = total // NW
    assert b_per_w % CHUNK == 0
    nchunk = b_per_w // CHUNK
    dv = d // 16
    assert dv & (dv - 1) == 0
    shift = dv.bit_length() - 1
    pro = NBUF - LG
    central = ((nchunk - LG - pro) // NBUF) * NBUF
    assert central > 0
    mesh = plsc.VectorSubcoreMesh(core_axis_name="c", subcore_axis_name="s")

    @functools.partial(
        pl.kernel,
        mesh=mesh,
        out_type=jax.ShapeDtypeStruct((total, d), jnp.float32),
        scratch_types=[
            pltpu.VMEM((b_per_w,), jnp.int32),
            pltpu.VMEM((16,), jnp.float32),
        ]
        + [pltpu.VMEM((CHUNK, d), jnp.float32)] * NBUF
        + [pltpu.SemaphoreType.DMA] * (2 * NBUF),
    )
    def _k(table_hbm, idx_hbm, w_hbm, out_hbm, idx_v, w_v, *rest):
        bufs = rest[:NBUF]
        gsems = rest[NBUF:2 * NBUF]
        ssems = rest[2 * NBUF:]
        wid = lax.axis_index("s") * NC + lax.axis_index("c")
        base = wid * b_per_w
        pltpu.sync_copy(idx_hbm.at[pl.ds(base, b_per_w)], idx_v)
        pltpu.sync_copy(w_hbm, w_v)
        w = w_v[...]

        def gather(c, b):
            pltpu.async_copy(
                table_hbm.at[idx_v.at[pl.ds(c * CHUNK, CHUNK)]], bufs[b], gsems[b]
            )

        def wait_gather(c, b):
            pltpu.make_async_copy(
                table_hbm.at[idx_v.at[pl.ds(c * CHUNK, CHUNK)]], bufs[b], gsems[b]
            ).wait()

        def scatter(c, b):
            pltpu.async_copy(
                bufs[b], out_hbm.at[pl.ds(base + c * CHUNK, CHUNK)], ssems[b]
            )

        def wait_scatter(c, b):
            pltpu.make_async_copy(
                bufs[b], out_hbm.at[pl.ds(base + c * CHUNK, CHUNK)], ssems[b]
            ).wait()

        def scale(b):
            buf = bufs[b]

            @plsc.parallel_loop(0, CHUNK * dv, 1, unroll=16)
            def _(k):
                r = k >> shift
                col = (k & (dv - 1)) * 16
                buf[r, pl.ds(col, 16)] = buf[r, pl.ds(col, 16)] * w

        def iteration(i, bm):
            if isinstance(i, int):
                do_ws = i - (NBUF - LG) >= 0
                do_g = i + LG < nchunk
                do_sc = i + 1 < nchunk
            else:
                do_ws = do_g = do_sc = True
            scatter(i, bm)
            if do_ws:
                wait_scatter(i - (NBUF - LG), (bm + LG) % NBUF)
            if do_g:
                gather(i + LG, (bm + LG) % NBUF)
            if do_sc:
                wait_gather(i + 1, (bm + 1) % NBUF)
                scale((bm + 1) % NBUF)

        for c in range(LG):
            gather(c, c % NBUF)
        wait_gather(0, 0)
        scale(0)

        for i in range(pro):
            iteration(i, i % NBUF)

        def body(i0, carry):
            for j in range(NBUF):
                iteration(pro + NBUF * i0 + j, (pro + j) % NBUF)
            return carry

        lax.fori_loop(0, central // NBUF, body, 0)

        for i in range(pro + central, nchunk):
            iteration(i, i % NBUF)

        for c in range(nchunk - (NBUF - LG), nchunk):
            wait_scatter(c, c % NBUF)

    return _k


def kernel(pos_ids, emb, weight):
    v, d = emb.shape
    total = pos_ids.size
    idx = pos_ids.reshape(-1).astype(jnp.int32)
    w16 = jnp.broadcast_to(weight.astype(jnp.float32), (16,))
    out = _make_fused_gather(total, d)(emb, idx, w16)
    return out.reshape(pos_ids.shape + (d,))

# --- scband reference (transcript-rebuilt; emitter-appended) ---
"""Pipeline reference for scband-scaled-sinusoidal-embedding-66589172957234 (READ-ONLY COPY).

The authoritative reference and input builder live on the scoring server;
editing this copy changes nothing except your own understanding.
"""

import jax, jax.numpy as jnp
import numpy as np

D_MODEL = 2048
THETA = 10000
MAX_SEQLEN = 8192
BATCH = 4
SEQ = 8192

def _build_emb():
    half_dim = D_MODEL // 2
    freq_seq = jnp.arange(half_dim, dtype=jnp.float32) / half_dim
    inv_freq = jnp.power(jnp.float32(THETA), -freq_seq)
    pos = jnp.arange(MAX_SEQLEN, dtype=jnp.float32)
    e = pos[:, None] * inv_freq[None, :]
    emb = jnp.concatenate([jnp.sin(e), jnp.cos(e)], axis=-1)
    return emb

def setup_inputs(seed: int = 0) -> dict:
    key = jax.random.key(seed)
    pos_ids = jax.random.randint(key, (BATCH, SEQ), 0, MAX_SEQLEN, dtype=jnp.int64 if jax.config.jax_enable_x64 else jnp.int32)
    emb = _build_emb()
    weight = jnp.ones((1,), dtype=jnp.float32) * (D_MODEL ** (-0.5))
    return {"pos_ids": pos_ids, "emb": emb, "weight": weight}

def reference(pos_ids, emb, weight):
    # emb[pos_ids] is a row-gather from the sinusoidal table, then scalar scale
    gathered = jnp.take(emb, pos_ids, axis=0)
    return weight * gathered

if __name__ == "__main__":
    import jax
    _d = setup_inputs()
    print(jax.jit(kernel)(*tuple(_d.values())))

</pallas_src>

<mosaic_0001>
#map = affine_map<(d0, d1) -> (0, 0)>
#map1 = affine_map<(d0, d1) -> (0)>
module attributes {stable_mosaic.version = 14 : i64} {
  func.func @_k(%arg0: i32, %arg1: i32, %arg2: memref<8192x2048xf32, #tpu.memory_space<hbm>>, %arg3: memref<32768xi32, #tpu.memory_space<hbm>>, %arg4: memref<16xf32, #tpu.memory_space<hbm>>, %arg5: memref<32768x2048xf32, #tpu.memory_space<hbm>>, %arg6: memref<1024xi32, #tpu.memory_space<vmem>>, %arg7: memref<16xf32, #tpu.memory_space<vmem>>, %arg8: memref<16x2048xf32, #tpu.memory_space<vmem>>, %arg9: memref<16x2048xf32, #tpu.memory_space<vmem>>, %arg10: memref<16x2048xf32, #tpu.memory_space<vmem>>, %arg11: memref<!tpu.dma_semaphore, #tpu.memory_space<semaphore_mem>>, %arg12: memref<!tpu.dma_semaphore, #tpu.memory_space<semaphore_mem>>, %arg13: memref<!tpu.dma_semaphore, #tpu.memory_space<semaphore_mem>>, %arg14: memref<!tpu.dma_semaphore, #tpu.memory_space<semaphore_mem>>, %arg15: memref<!tpu.dma_semaphore, #tpu.memory_space<semaphore_mem>>, %arg16: memref<!tpu.dma_semaphore, #tpu.memory_space<semaphore_mem>>) attributes {dimension_semantics = [#tpu.dimension_semantics<core_parallel>, #tpu.dimension_semantics<subcore_parallel>], iteration_bounds = array<i64: 2, 16>, scalar_prefetch = 0 : i64, scratch_operands = 11 : i64, tpu.core_type = #tpu.core_type<sc_vector_subcore>, window_params = [{transform_indices = #map}, {transform_indices = #map1}, {transform_indices = #map1}, {transform_indices = #map}]} {
    %mul3A = arith.constant 2 : i32
    %mul3A_0 = arith.muli %arg1, %mul3A : i32
    %add3A = arith.addi %mul3A_0, %arg0 : i32
    %mul3A_1 = arith.constant 1024 : i32
    %mul3A_2 = arith.muli %add3A, %mul3A_1 : i32
    "tpu.region"() ({
      %run_scoped3A = tpu.sem_alloc : memref<!tpu.dma_semaphore, #tpu.memory_space<semaphore_mem>>
      %dma_start3A_107 = tpu.memref_slice %arg3[%mul3A_2] : memref<32768xi32, #tpu.memory_space<hbm>> -> memref<1024xi32, #tpu.memory_space<hbm>>
      %dma_start3A_108 = tpu.memref_slice %arg3[%mul3A_2] : memref<32768xi32, #tpu.memory_space<hbm>> -> memref<1024xi32, #tpu.memory_space<hbm>>
      tpu.enqueue_dma source(%dma_start3A_108 : memref<1024xi32, #tpu.memory_space<hbm>>) target(%arg6 : memref<1024xi32, #tpu.memory_space<vmem>>) target_semaphore(%run_scoped3A : memref<!tpu.dma_semaphore, #tpu.memory_space<semaphore_mem>>)
      %dma_wait3A_109 = tpu.memref_slice %arg3[%mul3A_2] : memref<32768xi32, #tpu.memory_space<hbm>> -> memref<1024xi32, #tpu.memory_space<hbm>>
      %dma_wait3A_110 = tpu.memref_slice %arg3[%mul3A_2] : memref<32768xi32, #tpu.memory_space<hbm>> -> memref<1024xi32, #tpu.memory_space<hbm>>
      tpu.wait_dma2 semaphore(%run_scoped3A : memref<!tpu.dma_semaphore, #tpu.memory_space<semaphore_mem>>) src(%dma_wait3A_110 : memref<1024xi32, #tpu.memory_space<hbm>>) dst(%arg6 : memref<1024xi32, #tpu.memory_space<vmem>>)
      tpu.yield
    }) : () -> ()
    "tpu.region"() ({
      %run_scoped3A = tpu.sem_alloc : memref<!tpu.dma_semaphore, #tpu.memory_space<semaphore_mem>>
      tpu.enqueue_dma source(%arg4 : memref<16xf32, #tpu.memory_space<hbm>>) target(%arg7 : memref<16xf32, #tpu.memory_space<vmem>>) target_semaphore(%run_scoped3A : memref<!tpu.dma_semaphore, #tpu.memory_space<semaphore_mem>>)
      tpu.wait_dma2 semaphore(%run_scoped3A : memref<!tpu.dma_semaphore, #tpu.memory_space<semaphore_mem>>) src(%arg4 : memref<16xf32, #tpu.memory_space<hbm>>) dst(%arg7 : memref<16xf32, #tpu.memory_space<vmem>>)
      tpu.yield
    }) : () -> ()
    %get3A = arith.constant 0 : index
    %get3A_3 = tpu.vector_load %arg7[%get3A] {strides = array<i32>} : memref<16xf32, #tpu.memory_space<vmem>>, vector<16xf32>,
    %get3A_4 = vector.shape_cast %get3A_3 : vector<16xf32> to vector<16xf32>
    %dma_start3A = arith.constant 0 : i32
    %dma_start3A_5 = tpu.memref_slice %arg6[%dma_start3A] : memref<1024xi32, #tpu.memory_space<vmem>> -> memref<16xi32, #tpu.memory_space<vmem>>
    %dma_start3A_6 = arith.constant 0 : i32
    %dma_start3A_7 = arith.constant 0 : i32
    %dma_start3A_8 = tpu.memref_slice %arg2[%dma_start3A_6, %dma_start3A_7] : memref<8192x2048xf32, #tpu.memory_space<hbm>> -> memref<8192x2048xf32, #tpu.memory_space<hbm>>
    tpu.enqueue_indirect_dma source(%dma_start3A_8 : memref<8192x2048xf32, #tpu.memory_space<hbm>>) target(%arg8 : memref<16x2048xf32, #tpu.memory_space<vmem>>) offsets(%dma_start3A_5 : memref<16xi32, #tpu.memory_space<vmem>>) semaphore(%arg11 : memref<!tpu.dma_semaphore, #tpu.memory_space<semaphore_mem>>)
    %dma_start3A_9 = arith.constant 16 : i32
    %dma_start3A_10 = tpu.memref_slice %arg6[%dma_start3A_9] : memref<1024xi32, #tpu.memory_space<vmem>> -> memref<16xi32, #tpu.memory_space<vmem>>
    %dma_start3A_11 = arith.constant 0 : i32
    %dma_start3A_12 = arith.constant 0 : i32
    %dma_start3A_13 = tpu.memref_slice %arg2[%dma_start3A_11, %dma_start3A_12] : memref<8192x2048xf32, #tpu.memory_space<hbm>> -> memref<8192x2048xf32, #tpu.memory_space<hbm>>
    tpu.enqueue_indirect_dma source(%dma_start3A_13 : memref<8192x2048xf32, #tpu.memory_space<hbm>>) target(%arg9 : memref<16x2048xf32, #tpu.memory_space<vmem>>) offsets(%dma_start3A_10 : memref<16xi32, #tpu.memory_space<vmem>>) semaphore(%arg12 : memref<!tpu.dma_semaphore, #tpu.memory_space<semaphore_mem>>)
    %dma_wait3A = arith.constant 0 : i32
    %dma_wait3A_14 = tpu.memref_slice %arg6[%dma_wait3A] : memref<1024xi32, #tpu.memory_space<vmem>> -> memref<16xi32, #tpu.memory_space<vmem>>
    %dma_wait3A_15 = arith.constant 0 : i32
    %dma_wait3A_16 = arith.constant 0 : i32
    %dma_wait3A_17 = tpu.memref_slice %arg2[%dma_wait3A_15, %dma_wait3A_16] : memref<8192x2048xf32, #tpu.memory_space<hbm>> -> memref<8192x2048xf32, #tpu.memory_space<hbm>>
    tpu.wait_indirect_dma semaphore(%arg11 : memref<!tpu.dma_semaphore, #tpu.memory_space<semaphore_mem>>) src(%dma_wait3A_17 : memref<8192x2048xf32, #tpu.memory_space<hbm>>) dst(%arg8 : memref<16x2048xf32, #tpu.memory_space<vmem>>)
    %parallel_loop3A = arith.constant 0 : i32
    %parallel_loop3A_18 = arith.constant 2048 : i32
    %parallel_loop3A_19 = arith.constant 1 : i32
    scf.for %parallel_loop3A_107 = %parallel_loop3A to %parallel_loop3A_18 step %parallel_loop3A_19  : i32 {
      %parallel_loop3A_108 = arith.constant 7 : i32
      %parallel_loop3A_109 = arith.shrsi %parallel_loop3A_107, %parallel_loop3A_108 : i32
      %parallel_loop3A_110 = arith.constant 127 : i32
      %parallel_loop3A_111 = arith.andi %parallel_loop3A_107, %parallel_loop3A_110 : i32
      %parallel_loop3A_112 = arith.constant 16 : i32
      %parallel_loop3A_113 = arith.muli %parallel_loop3A_111, %parallel_loop3A_112 : i32
      %parallel_loop3A_114 = arith.index_cast %parallel_loop3A_109 : i32 to index
      %parallel_loop3A_115 = arith.index_cast %parallel_loop3A_113 : i32 to index
      %parallel_loop3A_116 = tpu.vector_load %arg8[%parallel_loop3A_114, %parallel_loop3A_115] {strides = array<i32>} : memref<16x2048xf32, #tpu.memory_space<vmem>>, vector<1x16xf32>,
      %parallel_loop3A_117 = vector.shape_cast %parallel_loop3A_116 : vector<1x16xf32> to vector<16xf32>
      %parallel_loop3A_118 = arith.mulf %parallel_loop3A_117, %get3A_4 : vector<16xf32>
      %parallel_loop3A_119 = arith.index_cast %parallel_loop3A_109 : i32 to index
      %parallel_loop3A_120 = arith.index_cast %parallel_loop3A_113 : i32 to index
      %parallel_loop3A_121 = tpu.vector_load %arg8[%parallel_loop3A_119, %parallel_loop3A_120] {strides = array<i32>} : memref<16x2048xf32, #tpu.memory_space<vmem>>, vector<1x16xf32>,
      %parallel_loop3A_122 = vector.shape_cast %parallel_loop3A_121 : vector<1x16xf32> to vector<16xf32>
      %parallel_loop3A_123 = vector.shape_cast %parallel_loop3A_118 : vector<16xf32> to vector<1x16xf32>
      tpu.vector_store %arg8[%parallel_loop3A_119, %parallel_loop3A_120], %parallel_loop3A_123 {strides = array<i32>} : memref<16x2048xf32, #tpu.memory_space<vmem>>, vector<1x16xf32>,
    } {sc.loop_unroll_factor = 16 : i64, sc.parallel_access}
    %add3A_20 = arith.constant 0 : i32
    %add3A_21 = arith.addi %mul3A_2, %add3A_20 : i32
    %dma_start3A_22 = arith.constant 0 : i32
    %dma_start3A_23 = tpu.memref_slice %arg5[%add3A_21, %dma_start3A_22] : memref<32768x2048xf32, #tpu.memory_space<hbm>> -> memref<16x2048xf32, #tpu.memory_space<hbm>>
    %dma_start3A_24 = arith.constant 0 : i32
    %dma_start3A_25 = tpu.memref_slice %arg5[%add3A_21, %dma_start3A_24] : memref<32768x2048xf32, #tpu.memory_space<hbm>> -> memref<16x2048xf32, #tpu.memory_space<hbm>>
    tpu.enqueue_dma source(%arg8 : memref<16x2048xf32, #tpu.memory_space<vmem>>) target(%dma_start3A_25 : memref<16x2048xf32, #tpu.memory_space<hbm>>) target_semaphore(%arg14 : memref<!tpu.dma_semaphore, #tpu.memory_space<semaphore_mem>>)
    %dma_start3A_26 = arith.constant 32 : i32
    %dma_start3A_27 = tpu.memref_slice %arg6[%dma_start3A_26] : memref<1024xi32, #tpu.memory_space<vmem>> -> memref<16xi32, #tpu.memory_space<vmem>>
    %dma_start3A_28 = arith.constant 0 : i32
    %dma_start3A_29 = arith.constant 0 : i32
    %dma_start3A_30 = tpu.memref_slice %arg2[%dma_start3A_28, %dma_start3A_29] : memref<8192x2048xf32, #tpu.memory_space<hbm>> -> memref<8192x2048xf32, #tpu.memory_space<hbm>>
    tpu.enqueue_indirect_dma source(%dma_start3A_30 : memref<8192x2048xf32, #tpu.memory_space<hbm>>) target(%arg10 : memref<16x2048xf32, #tpu.memory_space<vmem>>) offsets(%dma_start3A_27 : memref<16xi32, #tpu.memory_space<vmem>>) semaphore(%arg13 : memref<!tpu.dma_semaphore, #tpu.memory_space<semaphore_mem>>)
    %dma_wait3A_31 = arith.constant 16 : i32
    %dma_wait3A_32 = tpu.memref_slice %arg6[%dma_wait3A_31] : memref<1024xi32, #tpu.memory_space<vmem>> -> memref<16xi32, #tpu.memory_space<vmem>>
    %dma_wait3A_33 = arith.constant 0 : i32
    %dma_wait3A_34 = arith.constant 0 : i32
    %dma_wait3A_35 = tpu.memref_slice %arg2[%dma_wait3A_33, %dma_wait3A_34] : memref<8192x2048xf32, #tpu.memory_space<hbm>> -> memref<8192x2048xf32, #tpu.memory_space<hbm>>
    tpu.wait_indirect_dma semaphore(%arg12 : memref<!tpu.dma_semaphore, #tpu.memory_space<semaphore_mem>>) src(%dma_wait3A_35 : memref<8192x2048xf32, #tpu.memory_space<hbm>>) dst(%arg9 : memref<16x2048xf32, #tpu.memory_space<vmem>>)
    %parallel_loop3A_36 = arith.constant 0 : i32
    %parallel_loop3A_37 = arith.constant 2048 : i32
    %parallel_loop3A_38 = arith.constant 1 : i32
    scf.for %parallel_loop3A_107 = %parallel_loop3A_36 to %parallel_loop3A_37 step %parallel_loop3A_38  : i32 {
      %parallel_loop3A_108 = arith.constant 7 : i32
      %parallel_loop3A_109 = arith.shrsi %parallel_loop3A_107, %parallel_loop3A_108 : i32
      %parallel_loop3A_110 = arith.constant 127 : i32
      %parallel_loop3A_111 = arith.andi %parallel_loop3A_107, %parallel_loop3A_110 : i32
      %parallel_loop3A_112 = arith.constant 16 : i32
      %parallel_loop3A_113 = arith.muli %parallel_loop3A_111, %parallel_loop3A_112 : i32
      %parallel_loop3A_114 = arith.index_cast %parallel_loop3A_109 : i32 to index
      %parallel_loop3A_115 = arith.index_cast %parallel_loop3A_113 : i32 to index
      %parallel_loop3A_116 = tpu.vector_load %arg9[%parallel_loop3A_114, %parallel_loop3A_115] {strides = array<i32>} : memref<16x2048xf32, #tpu.memory_space<vmem>>, vector<1x16xf32>,
      %parallel_loop3A_117 = vector.shape_cast %parallel_loop3A_116 : vector<1x16xf32> to vector<16xf32>
      %parallel_loop3A_118 = arith.mulf %parallel_loop3A_117, %get3A_4 : vector<16xf32>
      %parallel_loop3A_119 = arith.index_cast %parallel_loop3A_109 : i32 to index
      %parallel_loop3A_120 = arith.index_cast %parallel_loop3A_113 : i32 to index
      %parallel_loop3A_121 = tpu.vector_load %arg9[%parallel_loop3A_119, %parallel_loop3A_120] {strides = array<i32>} : memref<16x2048xf32, #tpu.memory_space<vmem>>, vector<1x16xf32>,
      %parallel_loop3A_122 = vector.shape_cast %parallel_loop3A_121 : vector<1x16xf32> to vector<16xf32>
      %parallel_loop3A_123 = vector.shape_cast %parallel_loop3A_118 : vector<16xf32> to vector<1x16xf32>
      tpu.vector_store %arg9[%parallel_loop3A_119, %parallel_loop3A_120], %parallel_loop3A_123 {strides = array<i32>} : memref<16x2048xf32, #tpu.memory_space<vmem>>, vector<1x16xf32>,
    } {sc.loop_unroll_factor = 16 : i64, sc.parallel_access}
    %scan3A = arith.constant 0 : i32
    %scan3A_39 = arith.constant 0 : i32
    %scan3A_40 = arith.constant 20 : i32
    %scan3A_41 = arith.addi %scan3A_39, %scan3A_40 : i32
    %scan3A_42 = arith.constant 1 : i32
    scf.for %scan3A_107 = %scan3A_39 to %scan3A_41 step %scan3A_42  : i32 {
      %mul3A_108 = arith.constant 3 : i32
      %mul3A_109 = arith.muli %mul3A_108, %scan3A_107 : i32
      %add3A_110 = arith.constant 1 : i32
      %add3A_111 = arith.addi %add3A_110, %mul3A_109 : i32
      %add3A_112 = arith.constant 0 : i32
      %add3A_113 = arith.addi %add3A_111, %add3A_112 : i32
      %mul3A_114 = arith.constant 16 : i32
      %mul3A_115 = arith.muli %add3A_113, %mul3A_114 : i32
      %add3A_116 = arith.addi %mul3A_2, %mul3A_115 : i32
      %dma_start3A_117 = arith.constant 0 : i32
      %dma_start3A_118 = tpu.memref_slice %arg5[%add3A_116, %dma_start3A_117] : memref<32768x2048xf32, #tpu.memory_space<hbm>> -> memref<16x2048xf32, #tpu.memory_space<hbm>>
      %dma_start3A_119 = arith.constant 0 : i32
      %dma_start3A_120 = tpu.memref_slice %arg5[%add3A_116, %dma_start3A_119] : memref<32768x2048xf32, #tpu.memory_space<hbm>> -> memref<16x2048xf32, #tpu.memory_space<hbm>>
      tpu.enqueue_dma source(%arg9 : memref<16x2048xf32, #tpu.memory_space<vmem>>) target(%dma_start3A_120 : memref<16x2048xf32, #tpu.memory_space<hbm>>) target_semaphore(%arg15 : memref<!tpu.dma_semaphore, #tpu.memory_space<semaphore_mem>>)
      %sub3A = arith.constant 1 : i32
      %sub3A_121 = arith.subi %add3A_113, %sub3A : i32
      %mul3A_122 = arith.constant 16 : i32
      %mul3A_123 = arith.muli %sub3A_121, %mul3A_122 : i32
      %add3A_124 = arith.addi %mul3A_2, %mul3A_123 : i32
      %dma_wait3A_125 = arith.constant 0 : i32
      %dma_wait3A_126 = tpu.memref_slice %arg5[%add3A_124, %dma_wait3A_125] : memref<32768x2048xf32, #tpu.memory_space<hbm>> -> memref<16x2048xf32, #tpu.memory_space<hbm>>
      %dma_wait3A_127 = arith.constant 0 : i32
      %dma_wait3A_128 = tpu.memref_slice %arg5[%add3A_124, %dma_wait3A_127] : memref<32768x2048xf32, #tpu.memory_space<hbm>> -> memref<16x2048xf32, #tpu.memory_space<hbm>>
      tpu.wait_dma2 semaphore(%arg14 : memref<!tpu.dma_semaphore, #tpu.memory_space<semaphore_mem>>) src(%arg8 : memref<16x2048xf32, #tpu.memory_space<vmem>>) dst(%dma_wait3A_128 : memref<16x2048xf32, #tpu.memory_space<hbm>>)
      %add3A_129 = arith.constant 2 : i32
      %add3A_130 = arith.addi %add3A_113, %add3A_129 : i32
      %mul3A_131 = arith.constant 16 : i32
      %mul3A_132 = arith.muli %add3A_130, %mul3A_131 : i32
      %dma_start3A_133 = tpu.memref_slice %arg6[%mul3A_132] : memref<1024xi32, #tpu.memory_space<vmem>> -> memref<16xi32, #tpu.memory_space<vmem>>
      %dma_start3A_134 = arith.constant 0 : i32
      %dma_start3A_135 = arith.constant 0 : i32
      %dma_start3A_136 = tpu.memref_slice %arg2[%dma_start3A_134, %dma_start3A_135] : memref<8192x2048xf32, #tpu.memory_space<hbm>> -> memref<8192x2048xf32, #tpu.memory_space<hbm>>
      tpu.enqueue_indirect_dma source(%dma_start3A_136 : memref<8192x2048xf32, #tpu.memory_space<hbm>>) target(%arg8 : memref<16x2048xf32, #tpu.memory_space<vmem>>) offsets(%dma_start3A_133 : memref<16xi32, #tpu.memory_space<vmem>>) semaphore(%arg11 : memref<!tpu.dma_semaphore, #tpu.memory_space<semaphore_mem>>)
      %add3A_137 = arith.constant 1 : i32
      %add3A_138 = arith.addi %add3A_113, %add3A_137 : i32
      %mul3A_139 = arith.constant 16 : i32
      %mul3A_140 = arith.muli %add3A_138, %mul3A_139 : i32
      %dma_wait3A_141 = tpu.memref_slice %arg6[%mul3A_140] : memref<1024xi32, #tpu.memory_space<vmem>> -> memref<16xi32, #tpu.memory_space<vmem>>
      %dma_wait3A_142 = arith.constant 0 : i32
      %dma_wait3A_143 = arith.constant 0 : i32
      %dma_wait3A_144 = tpu.memref_slice %arg2[%dma_wait3A_142, %dma_wait3A_143] : memref<8192x2048xf32, #tpu.memory_space<hbm>> -> memref<8192x2048xf32, #tpu.memory_space<hbm>>
      tpu.wait_indirect_dma semaphore(%arg13 : memref<!tpu.dma_semaphore, #tpu.memory_space<semaphore_mem>>) src(%dma_wait3A_144 : memref<8192x2048xf32, #tpu.memory_space<hbm>>) dst(%arg10 : memref<16x2048xf32, #tpu.memory_space<vmem>>)
      %parallel_loop3A_145 = arith.constant 0 : i32
      %parallel_loop3A_146 = arith.constant 2048 : i32
      %parallel_loop3A_147 = arith.constant 1 : i32
      scf.for %parallel_loop3A_230 = %parallel_loop3A_145 to %parallel_loop3A_146 step %parallel_loop3A_147  : i32 {
        %parallel_loop3A_231 = arith.constant 7 : i32
        %parallel_loop3A_232 = arith.shrsi %parallel_loop3A_230, %parallel_loop3A_231 : i32
        %parallel_loop3A_233 = arith.constant 127 : i32
        %parallel_loop3A_234 = arith.andi %parallel_loop3A_230, %parallel_loop3A_233 : i32
        %parallel_loop3A_235 = arith.constant 16 : i32
        %parallel_loop3A_236 = arith.muli %parallel_loop3A_234, %parallel_loop3A_235 : i32
        %parallel_loop3A_237 = arith.index_cast %parallel_loop3A_232 : i32 to index
        %parallel_loop3A_238 = arith.index_cast %parallel_loop3A_236 : i32 to index
        %parallel_loop3A_239 = tpu.vector_load %arg10[%parallel_loop3A_237, %parallel_loop3A_238] {strides = array<i32>} : memref<16x2048xf32, #tpu.memory_space<vmem>>, vector<1x16xf32>,
        %parallel_loop3A_240 = vector.shape_cast %parallel_loop3A_239 : vector<1x16xf32> to vector<16xf32>
        %parallel_loop3A_241 = arith.mulf %parallel_loop3A_240, %get3A_4 : vector<16xf32>
        %parallel_loop3A_242 = arith.index_cast %parallel_loop3A_232 : i32 to index
        %parallel_loop3A_243 = arith.index_cast %parallel_loop3A_236 : i32 to index
        %parallel_loop3A_244 = tpu.vector_load %arg10[%parallel_loop3A_242, %parallel_loop3A_243] {strides = array<i32>} : memref<16x2048xf32, #tpu.memory_space<vmem>>, vector<1x16xf32>,
        %parallel_loop3A_245 = vector.shape_cast %parallel_loop3A_244 : vector<1x16xf32> to vector<16xf32>
        %parallel_loop3A_246 = vector.shape_cast %parallel_loop3A_241 : vector<16xf32> to vector<1x16xf32>
        tpu.vector_store %arg10[%parallel_loop3A_242, %parallel_loop3A_243], %parallel_loop3A_246 {strides = array<i32>} : memref<16x2048xf32, #tpu.memory_space<vmem>>, vector<1x16xf32>,
      } {sc.loop_unroll_factor = 16 : i64, sc.parallel_access}
      %mul3A_148 = arith.constant 3 : i32
      %mul3A_149 = arith.muli %mul3A_148, %scan3A_107 : i32
      %add3A_150 = arith.constant 1 : i32
      %add3A_151 = arith.addi %add3A_150, %mul3A_149 : i32
      %add3A_152 = arith.constant 1 : i32
      %add3A_153 = arith.addi %add3A_151, %add3A_152 : i32
      %mul3A_154 = arith.constant 16 : i32
      %mul3A_155 = arith.muli %add3A_153, %mul3A_154 : i32
      %add3A_156 = arith.addi %mul3A_2, %mul3A_155 : i32
      %dma_start3A_157 = arith.constant 0 : i32
      %dma_start3A_158 = tpu.memref_slice %arg5[%add3A_156, %dma_start3A_157] : memref<32768x2048xf32, #tpu.memory_space<hbm>> -> memref<16x2048xf32, #tpu.memory_space<hbm>>
      %dma_start3A_159 = arith.constant 0 : i32
      %dma_start3A_160 = tpu.memref_slice %arg5[%add3A_156, %dma_start3A_159] : memref<32768x2048xf32, #tpu.memory_space<hbm>> -> memref<16x2048xf32, #tpu.memory_space<hbm>>
      tpu.enqueue_dma source(%arg10 : memref<16x2048xf32, #tpu.memory_space<vmem>>) target(%dma_start3A_160 : memref<16x2048xf32, #tpu.memory_space<hbm>>) target_semaphore(%arg16 : memref<!tpu.dma_semaphore, #tpu.memory_space<semaphore_mem>>)
      %sub3A_161 = arith.constant 1 : i32
      %sub3A_162 = arith.subi %add3A_153, %sub3A_161 : i32
      %mul3A_163 = arith.constant 16 : i32
      %mul3A_164 = arith.muli %sub3A_162, %mul3A_163 : i32
      %add3A_165 = arith.addi %mul3A_2, %mul3A_164 : i32
      %dma_wait3A_166 = arith.constant 0 : i32
      %dma_wait3A_167 = tpu.memref_slice %arg5[%add3A_165, %dma_wait3A_166] : memref<32768x2048xf32, #tpu.memory_space<hbm>> -> memref<16x2048xf32, #tpu.memory_space<hbm>>
      %dma_wait3A_168 = arith.constant 0 : i32
      %dma_wait3A_169 = tpu.memref_slice %arg5[%add3A_165, %dma_wait3A_168] : memref<32768x2048xf32, #tpu.memory_space<hbm>> -> memref<16x2048xf32, #tpu.memory_space<hbm>>
      tpu.wait_dma2 semaphore(%arg15 : memref<!tpu.dma_semaphore, #tpu.memory_space<semaphore_mem>>) src(%arg9 : memref<16x2048xf32, #tpu.memory_space<vmem>>) dst(%dma_wait3A_169 : memref<16x2048xf32, #tpu.memory_space<hbm>>)
      %add3A_170 = arith.constant 2 : i32
      %add3A_171 = arith.addi %add3A_153, %add3A_170 : i32
      %mul3A_172 = arith.constant 16 : i32
      %mul3A_173 = arith.muli %add3A_171, %mul3A_172 : i32
      %dma_start3A_174 = tpu.memref_slice %arg6[%mul3A_173] : memref<1024xi32, #tpu.memory_space<vmem>> -> memref<16xi32, #tpu.memory_space<vmem>>
      %dma_start3A_175 = arith.constant 0 : i32
      %dma_start3A_176 = arith.constant 0 : i32
      %dma_start3A_177 = tpu.memref_slice %arg2[%dma_start3A_175, %dma_start3A_176] : memref<8192x2048xf32, #tpu.memory_space<hbm>> -> memref<8192x2048xf32, #tpu.memory_space<hbm>>
      tpu.enqueue_indirect_dma source(%dma_start3A_177 : memref<8192x2048xf32, #tpu.memory_space<hbm>>) target(%arg9 : memref<16x2048xf32, #tpu.memory_space<vmem>>) offsets(%dma_start3A_174 : memref<16xi32, #tpu.memory_space<vmem>>) semaphore(%arg12 : memref<!tpu.dma_semaphore, #tpu.memory_space<semaphore_mem>>)
      %add3A_178 = arith.constant 1 : i32
      %add3A_179 = arith.addi %add3A_153, %add3A_178 : i32
      %mul3A_180 = arith.constant 16 : i32
      %mul3A_181 = arith.muli %add3A_179, %mul3A_180 : i32
      %dma_wait3A_182 = tpu.memref_slice %arg6[%mul3A_181] : memref<1024xi32, #tpu.memory_space<vmem>> -> memref<16xi32, #tpu.memory_space<vmem>>
      %dma_wait3A_183 = arith.constant 0 : i32
      %dma_wait3A_184 = arith.constant 0 : i32
      %dma_wait3A_185 = tpu.memref_slice %arg2[%dma_wait3A_183, %dma_wait3A_184] : memref<8192x2048xf32, #tpu.memory_space<hbm>> -> memref<8192x2048xf32, #tpu.memory_space<hbm>>
      tpu.wait_indirect_dma semaphore(%arg11 : memref<!tpu.dma_semaphore, #tpu.memory_space<semaphore_mem>>) src(%dma_wait3A_185 : memref<8192x2048xf32, #tpu.memory_space<hbm>>) dst(%arg8 : memref<16x2048xf32, #tpu.memory_space<vmem>>)
      %parallel_loop3A_186 = arith.constant 0 : i32
      %parallel_loop3A_187 = arith.constant 2048 : i32
      %parallel_loop3A_188 = arith.constant 1 : i32
      scf.for %parallel_loop3A_230 = %parallel_loop3A_186 to %parallel_loop3A_187 step %parallel_loop3A_188  : i32 {
        %parallel_loop3A_231 = arith.constant 7 : i32
        %parallel_loop3A_232 = arith.shrsi %parallel_loop3A_230, %parallel_loop3A_231 : i32
        %parallel_loop3A_233 = arith.constant 127 : i32
        %parallel_loop3A_234 = arith.andi %parallel_loop3A_230, %parallel_loop3A_233 : i32
        %parallel_loop3A_235 = arith.constant 16 : i32
        %parallel_loop3A_236 = arith.muli %parallel_loop3A_234, %parallel_loop3A_235 : i32
        %parallel_loop3A_237 = arith.index_cast %parallel_loop3A_232 : i32 to index
        %parallel_loop3A_238 = arith.index_cast %parallel_loop3A_236 : i32 to index
        %parallel_loop3A_239 = tpu.vector_load %arg8[%parallel_loop3A_237, %parallel_loop3A_238] {strides = array<i32>} : memref<16x2048xf32, #tpu.memory_space<vmem>>, vector<1x16xf32>,
        %parallel_loop3A_240 = vector.shape_cast %parallel_loop3A_239 : vector<1x16xf32> to vector<16xf32>
        %parallel_loop3A_241 = arith.mulf %parallel_loop3A_240, %get3A_4 : vector<16xf32>
        %parallel_loop3A_242 = arith.index_cast %parallel_loop3A_232 : i32 to index
        %parallel_loop3A_243 = arith.index_cast %parallel_loop3A_236 : i32 to index
        %parallel_loop3A_244 = tpu.vector_load %arg8[%parallel_loop3A_242, %parallel_loop3A_243] {strides = array<i32>} : memref<16x2048xf32, #tpu.memory_space<vmem>>, vector<1x16xf32>,
        %parallel_loop3A_245 = vector.shape_cast %parallel_loop3A_244 : vector<1x16xf32> to vector<16xf32>
        %parallel_loop3A_246 = vector.shape_cast %parallel_loop3A_241 : vector<16xf32> to vector<1x16xf32>
        tpu.vector_store %arg8[%parallel_loop3A_242, %parallel_loop3A_243], %parallel_loop3A_246 {strides = array<i32>} : memref<16x2048xf32, #tpu.memory_space<vmem>>, vector<1x16xf32>,
      } {sc.loop_unroll_factor = 16 : i64, sc.parallel_access}
      %mul3A_189 = arith.constant 3 : i32
      %mul3A_190 = arith.muli %mul3A_189, %scan3A_107 : i32
      %add3A_191 = arith.constant 1 : i32
      %add3A_192 = arith.addi %add3A_191, %mul3A_190 : i32
      %add3A_193 = arith.constant 2 : i32
      %add3A_194 = arith.addi %add3A_192, %add3A_193 : i32
      %mul3A_195 = arith.constant 16 : i32
      %mul3A_196 = arith.muli %add3A_194, %mul3A_195 : i32
      %add3A_197 = arith.addi %mul3A_2, %mul3A_196 : i32
      %dma_start3A_198 = arith.constant 0 : i32
      %dma_start3A_199 = tpu.memref_slice %arg5[%add3A_197, %dma_start3A_198] : memref<32768x2048xf32, #tpu.memory_space<hbm>> -> memref<16x2048xf32, #tpu.memory_space<hbm>>
      %dma_start3A_200 = arith.constant 0 : i32
      %dma_start3A_201 = tpu.memref_slice %arg5[%add3A_197, %dma_start3A_200] : memref<32768x2048xf32, #tpu.memory_space<hbm>> -> memref<16x2048xf32, #tpu.memory_space<hbm>>
      tpu.enqueue_dma source(%arg8 : memref<16x2048xf32, #tpu.memory_space<vmem>>) target(%dma_start3A_201 : memref<16x2048xf32, #tpu.memory_space<hbm>>) target_semaphore(%arg14 : memref<!tpu.dma_semaphore, #tpu.memory_space<semaphore_mem>>)
      %sub3A_202 = arith.constant 1 : i32
      %sub3A_203 = arith.subi %add3A_194, %sub3A_202 : i32
      %mul3A_204 = arith.constant 16 : i32
      %mul3A_205 = arith.muli %sub3A_203, %mul3A_204 : i32
      %add3A_206 = arith.addi %mul3A_2, %mul3A_205 : i32
      %dma_wait3A_207 = arith.constant 0 : i32
      %dma_wait3A_208 = tpu.memref_slice %arg5[%add3A_206, %dma_wait3A_207] : memref<32768x2048xf32, #tpu.memory_space<hbm>> -> memref<16x2048xf32, #tpu.memory_space<hbm>>
      %dma_wait3A_209 = arith.constant 0 : i32
      %dma_wait3A_210 = tpu.memref_slice %arg5[%add3A_206, %dma_wait3A_209] : memref<32768x2048xf32, #tpu.memory_space<hbm>> -> memref<16x2048xf32, #tpu.memory_space<hbm>>
      tpu.wait_dma2 semaphore(%arg16 : memref<!tpu.dma_semaphore, #tpu.memory_space<semaphore_mem>>) src(%arg10 : memref<16x2048xf32, #tpu.memory_space<vmem>>) dst(%dma_wait3A_210 : memref<16x2048xf32, #tpu.memory_space<hbm>>)
      %add3A_211 = arith.constant 2 : i32
      %add3A_212 = arith.addi %add3A_194, %add3A_211 : i32
      %mul3A_213 = arith.constant 16 : i32
      %mul3A_214 = arith.muli %add3A_212, %mul3A_213 : i32
      %dma_start3A_215 = tpu.memref_slice %arg6[%mul3A_214] : memref<1024xi32, #tpu.memory_space<vmem>> -> memref<16xi32, #tpu.memory_space<vmem>>
      %dma_start3A_216 = arith.constant 0 : i32
      %dma_start3A_217 = arith.constant 0 : i32
      %dma_start3A_218 = tpu.memref_slice %arg2[%dma_start3A_216, %dma_start3A_217] : memref<8192x2048xf32, #tpu.memory_space<hbm>> -> memref<8192x2048xf32, #tpu.memory_space<hbm>>
      tpu.enqueue_indirect_dma source(%dma_start3A_218 : memref<8192x2048xf32, #tpu.memory_space<hbm>>) target(%arg10 : memref<16x2048xf32, #tpu.memory_space<vmem>>) offsets(%dma_start3A_215 : memref<16xi32, #tpu.memory_space<vmem>>) semaphore(%arg13 : memref<!tpu.dma_semaphore, #tpu.memory_space<semaphore_mem>>)
      %add3A_219 = arith.constant 1 : i32
      %add3A_220 = arith.addi %add3A_194, %add3A_219 : i32
      %mul3A_221 = arith.constant 16 : i32
      %mul3A_222 = arith.muli %add3A_220, %mul3A_221 : i32
      %dma_wait3A_223 = tpu.memref_slice %arg6[%mul3A_222] : memref<1024xi32, #tpu.memory_space<vmem>> -> memref<16xi32, #tpu.memory_space<vmem>>
      %dma_wait3A_224 = arith.constant 0 : i32
      %dma_wait3A_225 = arith.constant 0 : i32
      %dma_wait3A_226 = tpu.memref_slice %arg2[%dma_wait3A_224, %dma_wait3A_225] : memref<8192x2048xf32, #tpu.memory_space<hbm>> -> memref<8192x2048xf32, #tpu.memory_space<hbm>>
      tpu.wait_indirect_dma semaphore(%arg12 : memref<!tpu.dma_semaphore, #tpu.memory_space<semaphore_mem>>) src(%dma_wait3A_226 : memref<8192x2048xf32, #tpu.memory_space<hbm>>) dst(%arg9 : memref<16x2048xf32, #tpu.memory_space<vmem>>)
      %parallel_loop3A_227 = arith.constant 0 : i32
      %parallel_loop3A_228 = arith.constant 2048 : i32
      %parallel_loop3A_229 = arith.constant 1 : i32
      scf.for %parallel_loop3A_230 = %parallel_loop3A_227 to %parallel_loop3A_228 step %parallel_loop3A_229  : i32 {
        %parallel_loop3A_231 = arith.constant 7 : i32
        %parallel_loop3A_232 = arith.shrsi %parallel_loop3A_230, %parallel_loop3A_231 : i32
        %parallel_loop3A_233 = arith.constant 127 : i32
        %parallel_loop3A_234 = arith.andi %parallel_loop3A_230, %parallel_loop3A_233 : i32
        %parallel_loop3A_235 = arith.constant 16 : i32
        %parallel_loop3A_236 = arith.muli %parallel_loop3A_234, %parallel_loop3A_235 : i32
        %parallel_loop3A_237 = arith.index_cast %parallel_loop3A_232 : i32 to index
        %parallel_loop3A_238 = arith.index_cast %parallel_loop3A_236 : i32 to index
        %parallel_loop3A_239 = tpu.vector_load %arg9[%parallel_loop3A_237, %parallel_loop3A_238] {strides = array<i32>} : memref<16x2048xf32, #tpu.memory_space<vmem>>, vector<1x16xf32>,
        %parallel_loop3A_240 = vector.shape_cast %parallel_loop3A_239 : vector<1x16xf32> to vector<16xf32>
        %parallel_loop3A_241 = arith.mulf %parallel_loop3A_240, %get3A_4 : vector<16xf32>
        %parallel_loop3A_242 = arith.index_cast %parallel_loop3A_232 : i32 to index
        %parallel_loop3A_243 = arith.index_cast %parallel_loop3A_236 : i32 to index
        %parallel_loop3A_244 = tpu.vector_load %arg9[%parallel_loop3A_242, %parallel_loop3A_243] {strides = array<i32>} : memref<16x2048xf32, #tpu.memory_space<vmem>>, vector<1x16xf32>,
        %parallel_loop3A_245 = vector.shape_cast %parallel_loop3A_244 : vector<1x16xf32> to vector<16xf32>
        %parallel_loop3A_246 = vector.shape_cast %parallel_loop3A_241 : vector<16xf32> to vector<1x16xf32>
        tpu.vector_store %arg9[%parallel_loop3A_242, %parallel_loop3A_243], %parallel_loop3A_246 {strides = array<i32>} : memref<16x2048xf32, #tpu.memory_space<vmem>>, vector<1x16xf32>,
      } {sc.loop_unroll_factor = 16 : i64, sc.parallel_access}
    }
    %scan3A_43 = arith.constant 20 : i32
    %add3A_44 = arith.constant 976 : i32
    %add3A_45 = arith.addi %mul3A_2, %add3A_44 : i32
    %dma_start3A_46 = arith.constant 0 : i32
    %dma_start3A_47 = tpu.memref_slice %arg5[%add3A_45, %dma_start3A_46] : memref<32768x2048xf32, #tpu.memory_space<hbm>> -> memref<16x2048xf32, #tpu.memory_space<hbm>>
    %dma_start3A_48 = arith.constant 0 : i32
    %dma_start3A_49 = tpu.memref_slice %arg5[%add3A_45, %dma_start3A_48] : memref<32768x2048xf32, #tpu.memory_space<hbm>> -> memref<16x2048xf32, #tpu.memory_space<hbm>>
    tpu.enqueue_dma source(%arg9 : memref<16x2048xf32, #tpu.memory_space<vmem>>) target(%dma_start3A_49 : memref<16x2048xf32, #tpu.memory_space<hbm>>) target_semaphore(%arg15 : memref<!tpu.dma_semaphore, #tpu.memory_space<semaphore_mem>>)
    %add3A_50 = arith.constant 960 : i32
    %add3A_51 = arith.addi %mul3A_2, %add3A_50 : i32
    %dma_wait3A_52 = arith.constant 0 : i32
    %dma_wait3A_53 = tpu.memref_slice %arg5[%add3A_51, %dma_wait3A_52] : memref<32768x2048xf32, #tpu.memory_space<hbm>> -> memref<16x2048xf32, #tpu.memory_space<hbm>>
    %dma_wait3A_54 = arith.constant 0 : i32
    %dma_wait3A_55 = tpu.memref_slice %arg5[%add3A_51, %dma_wait3A_54] : memref<32768x2048xf32, #tpu.memory_space<hbm>> -> memref<16x2048xf32, #tpu.memory_space<hbm>>
    tpu.wait_dma2 semaphore(%arg14 : memref<!tpu.dma_semaphore, #tpu.memory_space<semaphore_mem>>) src(%arg8 : memref<16x2048xf32, #tpu.memory_space<vmem>>) dst(%dma_wait3A_55 : memref<16x2048xf32, #tpu.memory_space<hbm>>)
    %dma_start3A_56 = arith.constant 1008 : i32
    %dma_start3A_57 = tpu.memref_slice %arg6[%dma_start3A_56] : memref<1024xi32, #tpu.memory_space<vmem>> -> memref<16xi32, #tpu.memory_space<vmem>>
    %dma_start3A_58 = arith.constant 0 : i32
    %dma_start3A_59 = arith.constant 0 : i32
    %dma_start3A_60 = tpu.memref_slice %arg2[%dma_start3A_58, %dma_start3A_59] : memref<8192x2048xf32, #tpu.memory_space<hbm>> -> memref<8192x2048xf32, #tpu.memory_space<hbm>>
    tpu.enqueue_indirect_dma source(%dma_start3A_60 : memref<8192x2048xf32, #tpu.memory_space<hbm>>) target(%arg8 : memref<16x2048xf32, #tpu.memory_space<vmem>>) offsets(%dma_start3A_57 : memref<16xi32, #tpu.memory_space<vmem>>) semaphore(%arg11 : memref<!tpu.dma_semaphore, #tpu.memory_space<semaphore_mem>>)
    %dma_wait3A_61 = arith.constant 992 : i32
    %dma_wait3A_62 = tpu.memref_slice %arg6[%dma_wait3A_61] : memref<1024xi32, #tpu.memory_space<vmem>> -> memref<16xi32, #tpu.memory_space<vmem>>
    %dma_wait3A_63 = arith.constant 0 : i32
    %dma_wait3A_64 = arith.constant 0 : i32
    %dma_wait3A_65 = tpu.memref_slice %arg2[%dma_wait3A_63, %dma_wait3A_64] : memref<8192x2048xf32, #tpu.memory_space<hbm>> -> memref<8192x2048xf32, #tpu.memory_space<hbm>>
    tpu.wait_indirect_dma semaphore(%arg13 : memref<!tpu.dma_semaphore, #tpu.memory_space<semaphore_mem>>) src(%dma_wait3A_65 : memref<8192x2048xf32, #tpu.memory_space<hbm>>) dst(%arg10 : memref<16x2048xf32, #tpu.memory_space<vmem>>)
    %parallel_loop3A_66 = arith.constant 0 : i32
    %parallel_loop3A_67 = arith.constant 2048 : i32
    %parallel_loop3A_68 = arith.constant 1 : i32
    scf.for %parallel_loop3A_107 = %parallel_loop3A_66 to %parallel_loop3A_67 step %parallel_loop3A_68  : i32 {
      %parallel_loop3A_108 = arith.constant 7 : i32
      %parallel_loop3A_109 = arith.shrsi %parallel_loop3A_107, %parallel_loop3A_108 : i32
      %parallel_loop3A_110 = arith.constant 127 : i32
      %parallel_loop3A_111 = arith.andi %parallel_loop3A_107, %parallel_loop3A_110 : i32
      %parallel_loop3A_112 = arith.constant 16 : i32
      %parallel_loop3A_113 = arith.muli %parallel_loop3A_111, %parallel_loop3A_112 : i32
      %parallel_loop3A_114 = arith.index_cast %parallel_loop3A_109 : i32 to index
      %parallel_loop3A_115 = arith.index_cast %parallel_loop3A_113 : i32 to index
      %parallel_loop3A_116 = tpu.vector_load %arg10[%parallel_loop3A_114, %parallel_loop3A_115] {strides = array<i32>} : memref<16x2048xf32, #tpu.memory_space<vmem>>, vector<1x16xf32>,
      %parallel_loop3A_117 = vector.shape_cast %parallel_loop3A_116 : vector<1x16xf32> to vector<16xf32>
      %parallel_loop3A_118 = arith.mulf %parallel_loop3A_117, %get3A_4 : vector<16xf32>
      %parallel_loop3A_119 = arith.index_cast %parallel_loop3A_109 : i32 to index
      %parallel_loop3A_120 = arith.index_cast %parallel_loop3A_113 : i32 to index
      %parallel_loop3A_121 = tpu.vector_load %arg10[%parallel_loop3A_119, %parallel_loop3A_120] {strides = array<i32>} : memref<16x2048xf32, #tpu.memory_space<vmem>>, vector<1x16xf32>,
      %parallel_loop3A_122 = vector.shape_cast %parallel_loop3A_121 : vector<1x16xf32> to vector<16xf32>
      %parallel_loop3A_123 = vector.shape_cast %parallel_loop3A_118 : vector<16xf32> to vector<1x16xf32>
      tpu.vector_store %arg10[%parallel_loop3A_119, %parallel_loop3A_120], %parallel_loop3A_123 {strides = array<i32>} : memref<16x2048xf32, #tpu.memory_space<vmem>>, vector<1x16xf32>,
    } {sc.loop_unroll_factor = 16 : i64, sc.parallel_access}
    %add3A_69 = arith.constant 992 : i32
    %add3A_70 = arith.addi %mul3A_2, %add3A_69 : i32
    %dma_start3A_71 = arith.constant 0 : i32
    %dma_start3A_72 = tpu.memref_slice %arg5[%add3A_70, %dma_start3A_71] : memref<32768x2048xf32, #tpu.memory_space<hbm>> -> memref<16x2048xf32, #tpu.memory_space<hbm>>
    %dma_start3A_73 = arith.constant 0 : i32
    %dma_start3A_74 = tpu.memref_slice %arg5[%add3A_70, %dma_start3A_73] : memref<32768x2048xf32, #tpu.memory_space<hbm>> -> memref<16x2048xf32, #tpu.memory_space<hbm>>
    tpu.enqueue_dma source(%arg10 : memref<16x2048xf32, #tpu.memory_space<vmem>>) target(%dma_start3A_74 : memref<16x2048xf32, #tpu.memory_space<hbm>>) target_semaphore(%arg16 : memref<!tpu.dma_semaphore, #tpu.memory_space<semaphore_mem>>)
    %add3A_75 = arith.constant 976 : i32
    %add3A_76 = arith.addi %mul3A_2, %add3A_75 : i32
    %dma_wait3A_77 = arith.constant 0 : i32
    %dma_wait3A_78 = tpu.memref_slice %arg5[%add3A_76, %dma_wait3A_77] : memref<32768x2048xf32, #tpu.memory_space<hbm>> -> memref<16x2048xf32, #tpu.memory_space<hbm>>
    %dma_wait3A_79 = arith.constant 0 : i32
    %dma_wait3A_80 = tpu.memref_slice %arg5[%add3A_76, %dma_wait3A_79] : memref<32768x2048xf32, #tpu.memory_space<hbm>> -> memref<16x2048xf32, #tpu.memory_space<hbm>>
    tpu.wait_dma2 semaphore(%arg15 : memref<!tpu.dma_semaphore, #tpu.memory_space<semaphore_mem>>) src(%arg9 : memref<16x2048xf32, #tpu.memory_space<vmem>>) dst(%dma_wait3A_80 : memref<16x2048xf32, #tpu.memory_space<hbm>>)
    %dma_wait3A_81 = arith.constant 1008 : i32
    %dma_wait3A_82 = tpu.memref_slice %arg6[%dma_wait3A_81] : memref<1024xi32, #tpu.memory_space<vmem>> -> memref<16xi32, #tpu.memory_space<vmem>>
    %dma_wait3A_83 = arith.constant 0 : i32
    %dma_wait3A_84 = arith.constant 0 : i32
    %dma_wait3A_85 = tpu.memref_slice %arg2[%dma_wait3A_83, %dma_wait3A_84] : memref<8192x2048xf32, #tpu.memory_space<hbm>> -> memref<8192x2048xf32, #tpu.memory_space<hbm>>
    tpu.wait_indirect_dma semaphore(%arg11 : memref<!tpu.dma_semaphore, #tpu.memory_space<semaphore_mem>>) src(%dma_wait3A_85 : memref<8192x2048xf32, #tpu.memory_space<hbm>>) dst(%arg8 : memref<16x2048xf32, #tpu.memory_space<vmem>>)
    %parallel_loop3A_86 = arith.constant 0 : i32
    %parallel_loop3A_87 = arith.constant 2048 : i32
    %parallel_loop3A_88 = arith.constant 1 : i32
    scf.for %parallel_loop3A_107 = %parallel_loop3A_86 to %parallel_loop3A_87 step %parallel_loop3A_88  : i32 {
      %parallel_loop3A_108 = arith.constant 7 : i32
      %parallel_loop3A_109 = arith.shrsi %parallel_loop3A_107, %parallel_loop3A_108 : i32
      %parallel_loop3A_110 = arith.constant 127 : i32
      %parallel_loop3A_111 = arith.andi %parallel_loop3A_107, %parallel_loop3A_110 : i32
      %parallel_loop3A_112 = arith.constant 16 : i32
      %parallel_loop3A_113 = arith.muli %parallel_loop3A_111, %parallel_loop3A_112 : i32
      %parallel_loop3A_114 = arith.index_cast %parallel_loop3A_109 : i32 to index
      %parallel_loop3A_115 = arith.index_cast %parallel_loop3A_113 : i32 to index
      %parallel_loop3A_116 = tpu.vector_load %arg8[%parallel_loop3A_114, %parallel_loop3A_115] {strides = array<i32>} : memref<16x2048xf32, #tpu.memory_space<vmem>>, vector<1x16xf32>,
      %parallel_loop3A_117 = vector.shape_cast %parallel_loop3A_116 : vector<1x16xf32> to vector<16xf32>
      %parallel_loop3A_118 = arith.mulf %parallel_loop3A_117, %get3A_4 : vector<16xf32>
      %parallel_loop3A_119 = arith.index_cast %parallel_loop3A_109 : i32 to index
      %parallel_loop3A_120 = arith.index_cast %parallel_loop3A_113 : i32 to index
      %parallel_loop3A_121 = tpu.vector_load %arg8[%parallel_loop3A_119, %parallel_loop3A_120] {strides = array<i32>} : memref<16x2048xf32, #tpu.memory_space<vmem>>, vector<1x16xf32>,
      %parallel_loop3A_122 = vector.shape_cast %parallel_loop3A_121 : vector<1x16xf32> to vector<16xf32>
      %parallel_loop3A_123 = vector.shape_cast %parallel_loop3A_118 : vector<16xf32> to vector<1x16xf32>
      tpu.vector_store %arg8[%parallel_loop3A_119, %parallel_loop3A_120], %parallel_loop3A_123 {strides = array<i32>} : memref<16x2048xf32, #tpu.memory_space<vmem>>, vector<1x16xf32>,
    } {sc.loop_unroll_factor = 16 : i64, sc.parallel_access}
    %add3A_89 = arith.constant 1008 : i32
    %add3A_90 = arith.addi %mul3A_2, %add3A_89 : i32
    %dma_start3A_91 = arith.constant 0 : i32
    %dma_start3A_92 = tpu.memref_slice %arg5[%add3A_90, %dma_start3A_91] : memref<32768x2048xf32, #tpu.memory_space<hbm>> -> memref<16x2048xf32, #tpu.memory_space<hbm>>
    %dma_start3A_93 = arith.constant 0 : i32
    %dma_start3A_94 = tpu.memref_slice %arg5[%add3A_90, %dma_start3A_93] : memref<32768x2048xf32, #tpu.memory_space<hbm>> -> memref<16x2048xf32, #tpu.memory_space<hbm>>
    tpu.enqueue_dma source(%arg8 : memref<16x2048xf32, #tpu.memory_space<vmem>>) target(%dma_start3A_94 : memref<16x2048xf32, #tpu.memory_space<hbm>>) target_semaphore(%arg14 : memref<!tpu.dma_semaphore, #tpu.memory_space<semaphore_mem>>)
    %add3A_95 = arith.constant 992 : i32
    %add3A_96 = arith.addi %mul3A_2, %add3A_95 : i32
    %dma_wait3A_97 = arith.constant 0 : i32
    %dma_wait3A_98 = tpu.memref_slice %arg5[%add3A_96, %dma_wait3A_97] : memref<32768x2048xf32, #tpu.memory_space<hbm>> -> memref<16x2048xf32, #tpu.memory_space<hbm>>
    %dma_wait3A_99 = arith.constant 0 : i32
    %dma_wait3A_100 = tpu.memref_slice %arg5[%add3A_96, %dma_wait3A_99] : memref<32768x2048xf32, #tpu.memory_space<hbm>> -> memref<16x2048xf32, #tpu.memory_space<hbm>>
    tpu.wait_dma2 semaphore(%arg16 : memref<!tpu.dma_semaphore, #tpu.memory_space<semaphore_mem>>) src(%arg10 : memref<16x2048xf32, #tpu.memory_space<vmem>>) dst(%dma_wait3A_100 : memref<16x2048xf32, #tpu.memory_space<hbm>>)
    %add3A_101 = arith.constant 1008 : i32
    %add3A_102 = arith.addi %mul3A_2, %add3A_101 : i32
    %dma_wait3A_103 = arith.constant 0 : i32
    %dma_wait3A_104 = tpu.memref_slice %arg5[%add3A_102, %dma_wait3A_103] : memref<32768x2048xf32, #tpu.memory_space<hbm>> -> memref<16x2048xf32, #tpu.memory_space<hbm>>
    %dma_wait3A_105 = arith.constant 0 : i32
    %dma_wait3A_106 = tpu.memref_slice %arg5[%add3A_102, %dma_wait3A_105] : memref<32768x2048xf32, #tpu.memory_space<hbm>> -> memref<16x2048xf32, #tpu.memory_space<hbm>>
    tpu.wait_dma2 semaphore(%arg14 : memref<!tpu.dma_semaphore, #tpu.memory_space<semaphore_mem>>) src(%arg8 : memref<16x2048xf32, #tpu.memory_space<vmem>>) dst(%dma_wait3A_106 : memref<16x2048xf32, #tpu.memory_space<hbm>>)
    return
  }
}

</mosaic_0001>

<sc_bundles>
// kernel: kernel.3.cloned.1.call-start
scs
__scs_entry_jumppad:
0x0: {  	(pc) =	sbr.rel $0x88, $3  }
0x1: {  	(tag) =	ssettag $0x0;
	lr =	simm.s32 $0x1  }
0x2: {  	[smem:$0x3F9E] =	sst lr;
	_ =	strace $0xD0000000  }
0x3: {  	_ = 	snop  }
0x4: {  	_ = 	snop  }
0x5: {  	_ = 	snop  }
0x6: {  	_ = 	snop  }
0x7: {  	_ = 	snop  }
__scs_overlays_trampoline_lowered:
0x8: {  	[smem:$0x3FAD] =	sst s0  }
0x9: {  	[smem:$0x3FAE] =	sst s1  }
0xa: {  	[smem:$0x3FAF] =	sst s2  }
0xb: {  	[smem:$0x3FB0] =	sst s3  }
0xc: {  	[smem:$0x3FB1] =	sst s4  }
0xd: {  	[smem:$0x3FB2] =	sst s5  }
0xe: {  	[smem:$0x3FB3] =	sst s6  }
0xf: {  	[smem:$0x3FB4] =	sst s7  }
0x10: {  	[smem:$0x3FB5] =	sst s8  }
0x11: {  	[smem:$0x3FB6] =	sst s9;
	s0 =	simm.s32 @!p0 $0x0  }
0x12: {  	s1 =	sld [smem:$0x3F9C];
	s0 =	simm.s32 @p0 $0x1  }
0x13: {  	[smem:$0x3FB7] =	sst s0;
	s0 =	simm.s32 @!p1 $0x0  }
0x14: {  	s2 =	sld [smem:$0x3F9B];
	s0 =	simm.s32 @p1 $0x1  }
0x15: {  	[smem:$0x3FB8] =	sst s0;
	s0 =	simm.s32 @!p2 $0x0  }
0x16: {  	s3 =	sld [smem:$0x3FDB];
	s0 =	simm.s32 @p2 $0x1  }
0x17: {  	s4 =	simm.s32 $0x1BF5;
	[smem:$0x3FBA] =	sst s0  }
0x18: {  	s0 =	sld [smem:$0x3F9D];
	_ =	swait.ge [sflag:s4], $0x0  }
0x19: {  	s7 =	sld [smem:$0x3F9E]  }
0x1a: {  	s8 =	sadd.s32 $0xFFFFE003, lr  }
0x1b: {  	s9 =	sadd.s32 $0xFFFFFEF7, lr;
	s5 =	simm.s32 $0xFFFFFFFF;
	p2 =	slt.u32 s8, $0xFFFFF086  }
0x1c: {  	p1 =	slt.u32 s9, $0xF7A;
	s5 =	simm.s32 @!p2 $0x0  }
0x1d: {  	s5 =	simm.s32 @p1 $0x1;
	p0 =	seq.s32 s7, s2  }
0x1e: {  	s7 =	smul.u32 @!p0 $0xF7A, s2;
	p2 =	seq.s32 @!p0 s5, $0x0  }
0x1f: {  	s9 =	smul.u32 $0xF7A, s1;
	s8 =	simm.s32 @!p0 $0x1BF5;
	p2 =	por !p2, p0  }
0x20: {  	[sflag:s8] =	ssyncset.s32 @!p0 $0xFFFFF086;
	s6 =	sadd.s32 @!p0 s3, s7;
	s7 =	simm.s32 @!p0 $0x108  }
0x21: {  	s3 =	sadd.s32 s3, s9;
	s6 =	sadd.s32 @!p0 $0x88, s6;
	s7 =	simm.s32 @p2 $0x1082  }
0x22: {  	[simem:s7], [sflag:s8] =	dma.local @!p0 [hbm:s6], $0xF7A  }
0x23: {  	s9 =	sor.u32 $0xD0000000, s2;
	s6 =	simm.s32 $0x108;
	_ =	swait.ge @!p0 [sflag:s8], $0x0  }
0x24: {  	s3 =	sadd.s32 $0x88, s3;
	s6 =	simm.s32 @!p1 $0x1082;
	[sflag:s4] =	ssyncset.s32 $0xFFFFF086  }
0x25: {  	[simem:s6], [sflag:s4] =	dma.local [hbm:s3], $0xF7A  }
0x26: {  	[smem:$0x3F9E] =	sst s1;
	(tag) =	ssettag s2;
	_ =	strace s9  }
0x27: {  	s1 =	sld [smem:$0x3FAE]  }
0x28: {  	s2 =	sld [smem:$0x3FAF]  }
0x29: {  	s4 =	sld [smem:$0x3FB1]  }
0x2a: {  	p0 =	seq.s32 s5, $0x0;
	s5 =	sld [smem:$0x3FB2]  }
0x2b: {  	s6 =	sld [smem:$0x3FB3]  }
0x2c: {  	s7 =	sld [smem:$0x3FB4]  }
0x2d: {  	s3 =	simm.s32 $0x108;
	s8 =	sld [smem:$0x3FB5]  }
0x2e: {  	s3 =	simm.s32 @!p0 $0x1082;
	s9 =	sld [smem:$0x3FB6]  }
0x2f: {  	lr =	sadd.s32 s0, s3;
	s0 =	sld [smem:$0x3FAD]  }
0x30: {  	s3 =	sld [smem:$0x3FB0]  }
0x31: {  	[smem:$0x3FB9] =	sst s10  }
0x32: {  	s10 =	sld [smem:$0x3FB7];
	_ =	sdelay $0x3  }
0x33: {  	p0 =	seq.s32 s10, $0x1;
	s10 =	sld [smem:$0x3FB9];
	_ =	sdelay $0x3  }
0x34: {  	[smem:$0x3FB9] =	sst s10  }
0x35: {  	s10 =	sld [smem:$0x3FB8];
	_ =	sdelay $0x3  }
0x36: {  	p1 =	seq.s32 s10, $0x1;
	s10 =	sld [smem:$0x3FB9];
	_ =	sdelay $0x3  }
0x37: {  	[smem:$0x3FB9] =	sst s10  }
0x38: {  	s10 =	sld [smem:$0x3FBA]  }
0x39: {  	_ = 	snop;
	(pc) =	sbr.ind lr, $3  }
0x3a: {  	_ = 	snop  }
0x3b: {  	_ = 	snop  }
0x3c: {  	p2 =	seq.s32 s10, $0x1;
	s10 =	sld [smem:$0x3FB9]  }
0x3d: {  	_ =	shalt  }
0x3e: {  	_ =	shalt  }
0x3f: {  	_ =	shalt  }
0x40: {  	_ =	shalt  }
0x41: {  	_ =	shalt  }
0x42: {  	_ =	shalt  }
0x43: {  	_ =	shalt  }
0x44: {  	_ =	shalt  }
0x45: {  	_ =	shalt  }
0x46: {  	_ =	shalt  }
0x47: {  	_ =	shalt  }
0x48: {  	_ =	shalt  }
0x49: {  	_ =	shalt  }
0x4a: {  	_ =	shalt  }
0x4b: {  	_ =	shalt  }
0x4c: {  	_ =	shalt  }
0x4d: {  	_ =	shalt  }
0x4e: {  	_ =	shalt  }
0x4f: {  	_ =	shalt  }
0x50: {  	_ =	shalt  }
0x51: {  	_ =	shalt  }
0x52: {  	_ =	shalt  }
0x53: {  	_ =	shalt  }
0x54: {  	_ =	shalt  }
0x55: {  	_ =	shalt  }
0x56: {  	_ =	shalt  }
0x57: {  	_ =	shalt  }
0x58: {  	_ =	shalt  }
0x59: {  	_ =	shalt  }
0x5a: {  	_ =	shalt  }
0x5b: {  	_ =	shalt  }
0x5c: {  	_ =	shalt  }
0x5d: {  	_ =	shalt  }
0x5e: {  	_ =	shalt  }
0x5f: {  	_ =	shalt  }
0x60: {  	_ =	shalt  }
0x61: {  	_ =	shalt  }
0x62: {  	_ =	shalt  }
0x63: {  	_ =	shalt  }
0x64: {  	_ =	shalt  }
0x65: {  	_ =	shalt  }
0x66: {  	_ =	shalt  }
0x67: {  	_ =	shalt  }
0x68: {  	_ =	shalt  }
0x69: {  	_ =	shalt  }
0x6a: {  	_ =	shalt  }
0x6b: {  	_ =	shalt  }
0x6c: {  	_ =	shalt  }
0x6d: {  	_ =	shalt  }
0x6e: {  	_ =	shalt  }
0x6f: {  	_ =	shalt  }
0x70: {  	_ =	shalt  }
0x71: {  	_ =	shalt  }
0x72: {  	_ =	shalt  }
0x73: {  	_ =	shalt  }
0x74: {  	_ =	shalt  }
0x75: {  	_ =	shalt  }
0x76: {  	_ =	shalt  }
0x77: {  	_ =	shalt  }
0x78: {  	_ =	shalt  }
0x79: {  	_ =	shalt  }
0x7a: {  	_ =	shalt  }
0x7b: {  	_ =	shalt  }
0x7c: {  	_ =	shalt  }
0x7d: {  	_ =	shalt  }
0x7e: {  	_ =	shalt  }
0x7f: {  	_ =	shalt  }
0x80: {  	_ =	shalt  }
0x81: {  	_ =	shalt  }
0x82: {  	_ =	shalt  }
0x83: {  	_ =	shalt  }
0x84: {  	_ =	shalt  }
0x85: {  	_ =	shalt  }
0x86: {  	_ =	shalt  }
0x87: {  	_ =	shalt  }
.Lfunc_end0:
.L_simem_size_0:
called_computation_lowered:
.L_overlay_start_0:
0x88: {  	s2 =	sld [smem:$0x3FD9]  }
0x89: {  	s3 =	sld [smem:$0x3FFE];
	_ =	sdelay $0x1  }
0x8a: {  	s1 =	srdreg.scid  }
0x8b: {  	s0 =	sand.u32 $0x1, s1  }
0x8c: {  	s17 =	sshll.u32 s0, $0xA;
	s2 =	sadd.s32 s3, s2  }
0x8d: {  	s2 =	sadd.s32 s2, s17  }
0x8e: {  	[smem:$0x3FC5] =	sst s2  }
0x8f: {  	_ = 	snop  }
0x90: {  	s2 =	sld [smem:$0x3FC8]  }
0x91: {  	s18 =	sld [smem:$0x3FD0];
	(tm) =	ssettm $0x1  }
0x92: {  	s4 =	sld [smem:$0x3FFB];
	_ =	sdelay $0x3  }
0x93: {  	_ =	strace s4  }
0x94: {  	s4 =	sld [smem:$0x3FFC];
	_ =	sdelay $0x3  }
0x95: {  	_ =	strace s4  }
0x96: {  	s4 =	sld [smem:$0x3FFD];
	_ =	sdelay $0x3  }
0x97: {  	_ =	strace s4  }
0x98: {  	_ =	strace $0x8FFFFFFF  }
0x99: {  	s19 =	sld [smem:$0x3FDB];
	_ =	sdelay $0x1  }
0x9a: {  	s5 =	simm.s32 $_scs_section_size  }
0x9b: {  	s6 =	simm.s32 $_size__tile_overlayer_lowered;
	s7 =	simm.s32 $_tile_overlayer_lowered  }
0x9c: {  	s22 =	simm.s32 $0x1BFF;
	s21 =	sshll.u32 s7, $0x1;
	s4 =	sadd.s32 s5, s19  }
0x9d: {  	s8 =	simm.s32 $0x0;
	s20 =	sshll.u32 s6, $0x1;
	s6 =	sadd.s32 s21, s4  }
0x9e: {  	[timem:s8], [sflag:s22] =	dma.local [hbm:s6], s20  }
0x9f: {  	_ =	swait.ge [sflag:s22], s20  }
0xa0: {  	s5 =	ssub.s32 $0x0, s20;
	[sflag:s22] =	ssyncset.done $0x0  }
0xa1: {  	[sflag:s22] =	ssyncadd.s32 s5;
	_ =	sdelay $0x1  }
0xa2: {  	s23 =	simm.s32 $0x1B8B  }
0xa3: {  	_ =	swait.ge [sflag:s23], $0x1  }
0xa4: {  	[sflag:s23] =	ssyncset.done $0x0  }
0xa5: {  	s25 =	simm.s32 $0x1B8E;
	s24 =	sld [smem:$0x3FFE];
	[sflag:s23] =	ssyncadd.s32 $0xFFFFFFFF  }
0xa6: {  	s26 =	simm.s32 $execute0_lowered;
	[smem:$0x3FD2] =	sst s25  }
0xa7: {  	s6 =	sshll.u32 s26, $0x1;
	_ =	strace $0x80000046;
	[dreg:$0x1] =	wrdreg $0xFFFFFFFF  }
0xa8: {  	s28 =	simm.s32 $_size_execute0_lowered;
	s4 =	sadd.s32 s4, s6;
	[dreg:$0x0] =	wrdreg $0x0  }
0xa9: {  	s6 =	sshll.u32 s28, $0x1;
	[dreg:$0x2] =	wrdreg s4  }
0xaa: {  	[dreg:$0x3] =	wrdreg s6  }
0xab: {  	[dreg:$0x4] =	wrdreg $0xC0  }
0xac: {  	_ =	task [dreg:s8], $0x5FFFF  }
0xad: {  	[dreg:$0x1] =	wrdreg $0xFFFFFFFF  }
0xae: {  	[dreg:$0x0] =	wrdreg $0x60  }
0xaf: {  	[dreg:$0x2] =	wrdreg s2  }
0xb0: {  	[dreg:$0x3] =	wrdreg s24  }
0xb1: {  	[dreg:$0x4] =	wrdreg s18  }
0xb2: {  	[dreg:$0x5] =	wrdreg $0x9  }
0xb3: {  	_ =	task.clear_ibuf [dreg:s8], $0x6FFFF;
	_ =	strace $0x90000046  }
0xb4: {  	s29 =	simm.s32 $0x9;
	_ =	strace $0x80000048  }
0xb5: {  	_ =	swait.ge [sflag:s29], $0x1  }
0xb6: {  	[sflag:s29] =	ssyncadd.s32 $0xFFFFFFFF  }
0xb7: {  	_ =	strace $0x90000048  }
0xb8: {  	_ =	sfence  }
0xb9: {  	s30 =	sld [smem:$0x0];
	_ =	sdelay $0x2  }
0xba: {  	s31 =	sshll.u32 s1, $0xD;
	s1 =	sshrl.u32 s1, $0x2  }
0xbb: {  	s3 =	sand.u32 $0x4000, s31;
	s1 =	sadd.s32 s1, s30  }
0xbc: {  	s0 =	sor.u32 s3, s0;
	s1 =	sshll.u32 s1, $0x11  }
0xbd: {  	s0 =	sor.u32 s1, s0  }
0xbe: {  	s0 =	sadd.s32 $0x8F2B, s0  }
0xbf: {  	[sflag:s0] =	ssyncadd.remote.s32 $0x1  }
0xc0: {  	_ =	sfence.sel $0xFFFF  }
0xc1: {  	[dreg:$0x0] =	wrdreg $0xFFFFFFFF;
	(pc) =	sbr.abs _section_cstart, $3  }
0xc2: {  	[dreg:$0x1] =	wrdreg $0xFFFFFFFF  }
0xc3: {  	_ =	task.clear_ibuf [dreg:s8], $0x2FFFF;
	_ =	strace $0x9FFFFFFF  }
0xc4: {  	(tm) =	ssettm $0x7FFFFFFF  }
0xc5: {  	_ =	shalt  }
tec
execute0_lowered:
.L_overlay_start_1:
0x0: {  	(tag) =	ssettag $0x1  }
0x1: {  	s1 =	rddreg [dreg:$0x0]  }
0x2: {  	s0 =	srdreg.scid;
	s2 =	rddreg [dreg:$0x1]  }
0x3: {  	s4 =	stileid.u32;
	s3 =	rddreg [dreg:$0x2];
	s24 =	simm.s32 $0x480  }
0x4: {  	s15 =	simm.s32 $0x8480;
	s22 =	simm.s32 $0x1;
	s29 =	simm.s32 $0x2  }
0x5: {  	s28 =	simm.s32 $0x3;
	s23 =	simm.s32 $0x6;
	s0 =	sand.u32 $0x1, s0  }
0x6: {  	s5 =	sshll.u32 s4, $0xB;
	s4 =	simm.s32 $0x0;
	s8 =	sadd.s32 $0x100, s1  }
0x7: {  	s9 =	sadd.s32 $0x200, s1;
	s10 =	sadd.s32 $0x300, s1;
	s11 =	sadd.s32 $0x400, s1  }
0x8: {  	s12 =	sadd.s32 $0x500, s1;
	s13 =	sadd.s32 $0x600, s1;
	s6 =	sshll.u32 s0, $0xA  }
0x9: {  	s14 =	sadd.s32 $0x700, s1;
	s0 =	ssub.s32 $0x2, s0;
	s5 =	sor.u32 s6, s5  }
0xa: {  	[smem:$0x7FF] =	sst s4;
	s7 =	sshrl.u32 s0, $0x1;
	s6 =	sshrl.u32 s5, $0x3  }
0xb: {  	s0 =	ssub.s32 s0, s7;
	s6 =	sadd.s32 s6, s2;
	s2 =	sadd.s32 $0x1400, s2  }
0xc: {  	_ =	strace $0x80000047;
	s0 =	smax.u32 s0, $0x1;
	[dreg:$0x4] =	wrdreg s2  }
0xd: {  	s26 =	sshll.u32 s5, $0x8;
	s25 =	sadd.s32 $0x400, s6;
	[dreg:$0xa] =	wrdreg s0  }
0xe: {  	s16 =	sor.u32 $0x10, s5;
	s2 =	sadd.s32 s3, s26;
	[dreg:$0x5] =	wrdreg s25  }
0xf: {  	s17 =	sor.u32 $0x20, s5;
	s30 =	sadd.s32 $0x3D000, s2;
	[dreg:$0x6] =	wrdreg s2  }
0x10: {  	v2 =	vlaneseq.u32;
	s7 =	simm.s32 $0x0;
	s31 =	sadd.s32 $0x3E000, s2;
	[dreg:$0x7] =	wrdreg s30  }
0x11: {  	vm0 =	vmmov $0xffff;
	v1 =	vshrl.u32 v2, $0x3;
	s0 =	simm.s32 $0x5;
	s2 =	sadd.s32 $0x3F000, s2;
	[dreg:$0x8] =	wrdreg s31  }
0x12: {  	v0 =	vand.u32 $0x7, v2;
	v2 =	vor.u32 $0x8, v2;
	v1 =	vmul.u32 $0x8, v1;
	s25 =	simm.s32 $0x10480;
	[dreg:$0x9] =	wrdreg s2;
	s2 =	simm.s32 $0x4  }
.LBB2_1:
0x13: {  	[dreg:$0xb] =	wrdreg s7  }
0x14: {  	s6 =	rddreg [dreg:$0x5];
	s30 =	simm.s32 $0x7  }
0x15: {  	[tilespmem:s4], [sflag:$0x7] =	stream.linear.gather [hbm4b:s6+s4], $0x400, $0x38;
	[tilespmem:$0x18480] =	vst v63  }
0x16: {  	_ =	swait.ge [sflag:s30], $0x400  }
0x17: {  	[sflag:s30] =	ssyncset.done $0x0  }
0x18: {  	s18 =	simm.s32 $0x400;
	s31 =	rddreg [dreg:$0x4];
	[sflag:s30] =	ssyncadd.s32 $0xFFFFFC00  }
0x19: {  	[tilespmem:s18], [sflag:$0x7] =	stream.linear.gather [hbm4b:s31+s4], $0x80, $0x38;
	[tilespmem:$0x18480] =	vst v63  }
0x1a: {  	_ =	swait.ge [sflag:s30], $0x80  }
0x1b: {  	[sflag:s30] =	ssyncset.done $0x0  }
0x1c: {  	[sflag:s30] =	ssyncadd.s32 $0xFFFFFF80  }
0x1d: {  	v3 =	vld [tilespmem:$0x0];
	_ =	sdelay $0x4  }
0x1e: {  	v4 =	vshll.u32 v3, $0x4  }
0x1f: {  	v3 =	vand.u32 $0x7, v3;
	v4 =	vand.u32 $0xFFFFFF80, v4  }
0x20: {  	v4 =	vor.u32 v3, v4  }
0x21: {  	v3 =	vperm.xlane v4, v0;
	_ =	sdelay $0x1  }
0x22: {  	v5 =	vadd.s32 v1, v3;
	_ =	sdelay $0x4  }
0x23: {  	v3 =	vld [tilespmem:$0x400];
	[tilespmem:s24], [sflag:$0x1] =	stream.indirect_vreg.gather [hbm4b:s1+s4], $0x80, v5, vm0, $0xb8  }
0x24: {  	s7 =	simm.s32 $0xC80  }
0x25: {  	[tilespmem:s7], [sflag:$0x1] =	stream.indirect_vreg.gather [hbm4b:s8+s4], $0x80, v5, vm0, $0xb8;
	[tilespmem:$0x18480] =	vst v63  }
0x26: {  	s18 =	simm.s32 $0x1480  }
0x27: {  	[tilespmem:s18], [sflag:$0x1] =	stream.indirect_vreg.gather [hbm4b:s9+s4], $0x80, v5, vm0, $0xb8;
	[tilespmem:$0x18480] =	vst v63  }
0x28: {  	s19 =	simm.s32 $0x1C80  }
0x29: {  	[tilespmem:s19], [sflag:$0x1] =	stream.indirect_vreg.gather [hbm4b:s10+s4], $0x80, v5, vm0, $0xb8;
	[tilespmem:$0x18480] =	vst v63  }
0x2a: {  	s20 =	simm.s32 $0x2480  }
0x2b: {  	[tilespmem:s20], [sflag:$0x1] =	stream.indirect_vreg.gather [hbm4b:s11+s4], $0x80, v5, vm0, $0xb8;
	[tilespmem:$0x18480] =	vst v63  }
0x2c: {  	s21 =	simm.s32 $0x2C80;
	v4 =	vperm.xlane v4, v2  }
0x2d: {  	[tilespmem:s21], [sflag:$0x1] =	stream.indirect_vreg.gather [hbm4b:s12+s4], $0x80, v5, vm0, $0xb8;
	[tilespmem:$0x18480] =	vst v63  }
0x2e: {  	s26 =	simm.s32 $0x3480;
	v4 =	vadd.s32 v1, v4  }
0x2f: {  	[tilespmem:s26], [sflag:$0x1] =	stream.indirect_vreg.gather [hbm4b:s13+s4], $0x80, v5, vm0, $0xb8;
	[tilespmem:$0x18480] =	vst v63  }
0x30: {  	s30 =	simm.s32 $0x3C80  }
0x31: {  	[tilespmem:s30], [sflag:$0x1] =	stream.indirect_vreg.gather [hbm4b:s14+s4], $0x80, v5, vm0, $0xb8;
	[tilespmem:$0x18480] =	vst v63  }
0x32: {  	s31 =	simm.s32 $0x4480  }
0x33: {  	[tilespmem:s31], [sflag:$0x1] =	stream.indirect_vreg.gather [hbm4b:s1+s4], $0x80, v4, vm0, $0xb8;
	[tilespmem:$0x18480] =	vst v63  }
0x34: {  	s7 =	simm.s32 $0x4C80  }
0x35: {  	[tilespmem:s7], [sflag:$0x1] =	stream.indirect_vreg.gather [hbm4b:s8+s4], $0x80, v4, vm0, $0xb8;
	[tilespmem:$0x18480] =	vst v63  }
0x36: {  	s18 =	simm.s32 $0x5480  }
0x37: {  	[tilespmem:s18], [sflag:$0x1] =	stream.indirect_vreg.gather [hbm4b:s9+s4], $0x80, v4, vm0, $0xb8;
	[tilespmem:$0x18480] =	vst v63  }
0x38: {  	s19 =	simm.s32 $0x5C80  }
0x39: {  	[tilespmem:s19], [sflag:$0x1] =	stream.indirect_vreg.gather [hbm4b:s10+s4], $0x80, v4, vm0, $0xb8;
	[tilespmem:$0x18480] =	vst v63  }
0x3a: {  	s20 =	simm.s32 $0x6480  }
0x3b: {  	[tilespmem:s20], [sflag:$0x1] =	stream.indirect_vreg.gather [hbm4b:s11+s4], $0x80, v4, vm0, $0xb8;
	[tilespmem:$0x18480] =	vst v63  }
0x3c: {  	s21 =	simm.s32 $0x6C80  }
0x3d: {  	[tilespmem:s21], [sflag:$0x1] =	stream.indirect_vreg.gather [hbm4b:s12+s4], $0x80, v4, vm0, $0xb8;
	[tilespmem:$0x18480] =	vst v63  }
0x3e: {  	s26 =	simm.s32 $0x7480  }
0x3f: {  	[tilespmem:s26], [sflag:$0x1] =	stream.indirect_vreg.gather [hbm4b:s13+s4], $0x80, v4, vm0, $0xb8;
	[tilespmem:$0x18480] =	vst v63  }
0x40: {  	s30 =	simm.s32 $0x7C80  }
0x41: {  	[tilespmem:s30], [sflag:$0x1] =	stream.indirect_vreg.gather [hbm4b:s14+s4], $0x80, v4, vm0, $0xb8;
	[tilespmem:$0x18480] =	vst v63  }
0x42: {  	v4 =	vld [tilespmem:$0x10];
	_ =	sdelay $0x4  }
0x43: {  	v5 =	vshll.u32 v4, $0x4  }
0x44: {  	v4 =	vand.u32 $0x7, v4;
	v5 =	vand.u32 $0xFFFFFF80, v5  }
0x45: {  	v4 =	vor.u32 v4, v5  }
0x46: {  	v5 =	vperm.xlane v4, v0;
	_ =	sdelay $0x1  }
0x47: {  	v5 =	vadd.s32 v1, v5;
	_ =	sdelay $0x4  }
0x48: {  	[tilespmem:s15], [sflag:$0x2] =	stream.indirect_vreg.gather [hbm4b:s1+s4], $0x80, v5, vm0, $0xb8;
	[tilespmem:$0x18480] =	vst v63  }
0x49: {  	s31 =	simm.s32 $0x8C80  }
0x4a: {  	[tilespmem:s31], [sflag:$0x2] =	stream.indirect_vreg.gather [hbm4b:s8+s4], $0x80, v5, vm0, $0xb8;
	[tilespmem:$0x18480] =	vst v63  }
0x4b: {  	s7 =	simm.s32 $0x9480  }
0x4c: {  	[tilespmem:s7], [sflag:$0x2] =	stream.indirect_vreg.gather [hbm4b:s9+s4], $0x80, v5, vm0, $0xb8;
	[tilespmem:$0x18480] =	vst v63  }
0x4d: {  	s18 =	simm.s32 $0x9C80  }
0x4e: {  	[tilespmem:s18], [sflag:$0x2] =	stream.indirect_vreg.gather [hbm4b:s10+s4], $0x80, v5, vm0, $0xb8;
	[tilespmem:$0x18480] =	vst v63  }
0x4f: {  	s19 =	simm.s32 $0xA480  }
0x50: {  	[tilespmem:s19], [sflag:$0x2] =	stream.indirect_vreg.gather [hbm4b:s11+s4], $0x80, v5, vm0, $0xb8;
	[tilespmem:$0x18480] =	vst v63  }
0x51: {  	s20 =	simm.s32 $0xAC80;
	v4 =	vperm.xlane v4, v2  }
0x52: {  	[tilespmem:s20], [sflag:$0x2] =	stream.indirect_vreg.gather [hbm4b:s12+s4], $0x80, v5, vm0, $0xb8;
	[tilespmem:$0x18480] =	vst v63  }
0x53: {  	s21 =	simm.s32 $0xB480;
	v4 =	vadd.s32 v1, v4  }
0x54: {  	[tilespmem:s21], [sflag:$0x2] =	stream.indirect_vreg.gather [hbm4b:s13+s4], $0x80, v5, vm0, $0xb8;
	[tilespmem:$0x18480] =	vst v63  }
0x55: {  	s26 =	simm.s32 $0xBC80  }
0x56: {  	[tilespmem:s26], [sflag:$0x2] =	stream.indirect_vreg.gather [hbm4b:s14+s4], $0x80, v5, vm0, $0xb8;
	[tilespmem:$0x18480] =	vst v63  }
0x57: {  	s30 =	simm.s32 $0xC480  }
0x58: {  	[tilespmem:s30], [sflag:$0x2] =	stream.indirect_vreg.gather [hbm4b:s1+s4], $0x80, v4, vm0, $0xb8;
	[tilespmem:$0x18480] =	vst v63  }
0x59: {  	s31 =	simm.s32 $0xCC80  }
0x5a: {  	[tilespmem:s31], [sflag:$0x2] =	stream.indirect_vreg.gather [hbm4b:s8+s4], $0x80, v4, vm0, $0xb8;
	[tilespmem:$0x18480] =	vst v63  }
0x5b: {  	s7 =	simm.s32 $0xD480  }
0x5c: {  	[tilespmem:s7], [sflag:$0x2] =	stream.indirect_vreg.gather [hbm4b:s9+s4], $0x80, v4, vm0, $0xb8;
	[tilespmem:$0x18480] =	vst v63  }
0x5d: {  	s18 =	simm.s32 $0xDC80  }
0x5e: {  	[tilespmem:s18], [sflag:$0x2] =	stream.indirect_vreg.gather [hbm4b:s10+s4], $0x80, v4, vm0, $0xb8;
	[tilespmem:$0x18480] =	vst v63  }
0x5f: {  	s19 =	simm.s32 $0xE480  }
0x60: {  	[tilespmem:s19], [sflag:$0x2] =	stream.indirect_vreg.gather [hbm4b:s11+s4], $0x80, v4, vm0, $0xb8;
	[tilespmem:$0x18480] =	vst v63  }
0x61: {  	s20 =	simm.s32 $0xEC80  }
0x62: {  	[tilespmem:s20], [sflag:$0x2] =	stream.indirect_vreg.gather [hbm4b:s12+s4], $0x80, v4, vm0, $0xb8;
	[tilespmem:$0x18480] =	vst v63  }
0x63: {  	s21 =	simm.s32 $0xF480  }
0x64: {  	[tilespmem:s21], [sflag:$0x2] =	stream.indirect_vreg.gather [hbm4b:s13+s4], $0x80, v4, vm0, $0xb8;
	[tilespmem:$0x18480] =	vst v63  }
0x65: {  	s26 =	simm.s32 $0xFC80;
	s30 =	sand.u32 $0x4000, s4  }
0x66: {  	[tilespmem:s26], [sflag:$0x2] =	stream.indirect_vreg.gather [hbm4b:s14+s4], $0x80, v4, vm0, $0xb8;
	[tilespmem:$0x18480] =	vst v63  }
0x67: {  	s31 =	sand.u32 $0x3800, s4;
	s7 =	simm.s32 $0x0;
	_ =	swait.ge [sflag:s22], $0x8000  }
0x68: {  	s6 =	sor.u32 s31, s30;
	s19 =	sand.u32 $0x380, s7;
	[sflag:s22] =	ssyncset.done $0x0  }
0x69: {  	s6 =	sor.u32 s6, s19;
	[sflag:s22] =	ssyncadd.s32 $0xFFFF8000  }
0x6a: {  	v4 =	vld [tilespmem:s6+$0x8F0]  }
0x6b: {  	v5 =	vld [tilespmem:s6+$0x480]  }
0x6c: {  	v6 =	vld [tilespmem:s6+$0x490]  }
0x6d: {  	v7 =	vld [tilespmem:s6+$0x4A0]  }
0x6e: {  	v9 =	vld [tilespmem:s6+$0x4B0]  }
0x6f: {  	v10 =	vld [tilespmem:s6+$0x4C0];
	v4 =	vmul.f32 v4, v3  }
0x70: {  	v11 =	vld [tilespmem:s6+$0x4D0];
	v5 =	vmul.f32 v5, v3  }
0x71: {  	v12 =	vld [tilespmem:s6+$0x4E0];
	v6 =	vmul.f32 v6, v3;
	[tilespmem:s6+$0x8F0] =	vst v4  }
0x72: {  	v8 =	vld [tilespmem:s6+$0x4F0];
	[tilespmem:s6+$0x480] =	vst v5;
	v4 =	vmul.f32 v7, v3  }
0x73: {  	[tilespmem:s6+$0x490] =	vst v6;
	v6 =	vmul.f32 v9, v3;
	v7 =	vld [tilespmem:s6+$0x880]  }
0x74: {  	v9 =	vmul.f32 v10, v3;
	v5 =	vld [tilespmem:s6+$0x890];
	[tilespmem:s6+$0x4A0] =	vst v4  }
0x75: {  	v10 =	vmul.f32 v11, v3;
	[tilespmem:s6+$0x4B0] =	vst v6;
	v4 =	vld [tilespmem:s6+$0x8A0]  }
0x76: {  	s18 =	simm.s32 $0x800;
	s19 =	simm.s32 $0x100;
	[tilespmem:s6+$0x4C0] =	vst v9;
	v9 =	vmul.f32 v12, v3;
	v6 =	vld [tilespmem:s6+$0x8B0]  }
.LBB2_2:
0x77: {  	s7 =	sadd.s32 $0x10, s7;
	s26 =	sand.u32 $0x4000, s19;
	s30 =	sand.u32 $0x3800, s18;
	[tilespmem:s6+$0x4D0] =	vst v10;
	v8 =	vmul.f32 v8, v3;
	v10 =	vld [tilespmem:s6+$0x8C0]  }
0x78: {  	s31 =	sand.u32 $0x380, s7;
	s26 =	sor.u32 s30, s26;
	p0 =	slt.u32 s7, $0x7F0;
	[tilespmem:s6+$0x4E0] =	vst v9;
	v7 =	vmul.f32 v7, v3;
	v9 =	vld [tilespmem:s6+$0x8D0]  }
0x79: {  	s26 =	sor.u32 s26, s31;
	[tilespmem:s6+$0x4F0] =	vst v8;
	v5 =	vmul.f32 v5, v3;
	v8 =	vld [tilespmem:s6+$0x8E0]  }
0x7a: {  	v11 =	vld [tilespmem:s26+$0x8F0];
	[tilespmem:s6+$0x880] =	vst v7;
	v4 =	vmul.f32 v4, v3  }
0x7b: {  	v7 =	vld [tilespmem:s26+$0x480];
	[tilespmem:s6+$0x890] =	vst v5;
	v5 =	vmul.f32 v6, v3  }
0x7c: {  	v6 =	vld [tilespmem:s26+$0x490];
	[tilespmem:s6+$0x8A0] =	vst v4;
	v4 =	vmul.f32 v10, v3  }
0x7d: {  	v10 =	vld [tilespmem:s26+$0x4A0];
	[tilespmem:s6+$0x8B0] =	vst v5;
	v5 =	vmul.f32 v9, v3  }
0x7e: {  	v9 =	vld [tilespmem:s26+$0x4B0];
	[tilespmem:s6+$0x8C0] =	vst v4;
	v4 =	vmul.f32 v8, v3  }
0x7f: {  	v12 =	vld [tilespmem:s26+$0x4C0];
	v8 =	vmul.f32 v11, v3;
	[tilespmem:s6+$0x8D0] =	vst v5  }
0x80: {  	v5 =	vmul.f32 v7, v3;
	v11 =	vld [tilespmem:s26+$0x4D0];
	[tilespmem:s6+$0x8E0] =	vst v4;
	s6 =	smov.u32 s26  }
0x81: {  	v4 =	vmul.f32 v6, v3;
	v6 =	vld [tilespmem:s6+$0x4E0];
	[tilespmem:s6+$0x8F0] =	vst v8  }
.Ltmp0:
0x82: {  	[tilespmem:s6+$0x480] =	vst v5;
	v5 =	vmul.f32 v10, v3;
	v8 =	vld [tilespmem:s6+$0x4F0];
	(pc) =	sbr.rel @p0 .LBB2_2-.Ltmp0, $4  }
0x83: {  	[tilespmem:s6+$0x490] =	vst v4;
	v4 =	vmul.f32 v9, v3;
	v7 =	vld [tilespmem:s6+$0x880]  }
0x84: {  	[tilespmem:s6+$0x4A0] =	vst v5;
	v9 =	vmul.f32 v12, v3;
	v5 =	vld [tilespmem:s6+$0x890]  }
0x85: {  	[tilespmem:s6+$0x4B0] =	vst v4;
	v10 =	vmul.f32 v11, v3;
	v4 =	vld [tilespmem:s6+$0x8A0]  }
0x86: {  	s18 =	sadd.s32 $0x800, s18;
	s19 =	sadd.s32 $0x100, s19;
	[tilespmem:s6+$0x4C0] =	vst v9;
	v9 =	vmul.f32 v6, v3;
	v6 =	vld [tilespmem:s6+$0x8B0]  }
0x87: {  	[tilespmem:s6+$0x4D0] =	vst v10;
	v8 =	vmul.f32 v8, v3;
	v10 =	vld [tilespmem:s6+$0x8C0]  }
0x88: {  	[tilespmem:s6+$0x4E0] =	vst v9;
	v7 =	vmul.f32 v7, v3;
	v9 =	vld [tilespmem:s6+$0x8D0]  }
0x89: {  	[tilespmem:s6+$0x4F0] =	vst v8;
	v5 =	vmul.f32 v5, v3;
	v8 =	vld [tilespmem:s6+$0x8E0]  }
0x8a: {  	[tilespmem:s6+$0x880] =	vst v7;
	v4 =	vmul.f32 v4, v3  }
0x8b: {  	[tilespmem:s6+$0x890] =	vst v5;
	v5 =	vmul.f32 v6, v3  }
0x8c: {  	[tilespmem:s6+$0x8A0] =	vst v4;
	v4 =	vmul.f32 v10, v3  }
0x8d: {  	[tilespmem:s6+$0x8B0] =	vst v5;
	v5 =	vmul.f32 v9, v3  }
0x8e: {  	[tilespmem:s6+$0x8C0] =	vst v4;
	v4 =	vmul.f32 v8, v3  }
0x8f: {  	[tilespmem:s6+$0x8D0] =	vst v5  }
0x90: {  	[tilespmem:s6+$0x8E0] =	vst v4  }
0x91: {  	s30 =	simm.s32 $0x0;
	s4 =	rddreg [dreg:$0x6]  }
0x92: {  	[hbm4b:s4+s30] =	stream.linear.scatter [tilespmem:s24], [sflag:$0x4], $0x8000, $0x38;
	[tilespmem:$0x18480] =	vst v63  }
0x93: {  	v4 =	vld [tilespmem:$0x20];
	_ =	sdelay $0x4  }
0x94: {  	v5 =	vshll.u32 v4, $0x4  }
0x95: {  	v4 =	vand.u32 $0x7, v4;
	v5 =	vand.u32 $0xFFFFFF80, v5  }
0x96: {  	v4 =	vor.u32 v4, v5  }
0x97: {  	v5 =	vperm.xlane v4, v0;
	_ =	sdelay $0x1  }
0x98: {  	v5 =	vadd.s32 v1, v5;
	_ =	sdelay $0x4  }
0x99: {  	[tilespmem:s25], [sflag:$0x3] =	stream.indirect_vreg.gather [hbm4b:s1+s30], $0x80, v5, vm0, $0xb8;
	[tilespmem:$0x18480] =	vst v63  }
0x9a: {  	s6 =	simm.s32 $0x10C80  }
0x9b: {  	[tilespmem:s6], [sflag:$0x3] =	stream.indirect_vreg.gather [hbm4b:s8+s30], $0x80, v5, vm0, $0xb8;
	[tilespmem:$0x18480] =	vst v63  }
0x9c: {  	s7 =	simm.s32 $0x11480  }
0x9d: {  	[tilespmem:s7], [sflag:$0x3] =	stream.indirect_vreg.gather [hbm4b:s9+s30], $0x80, v5, vm0, $0xb8;
	[tilespmem:$0x18480] =	vst v63  }
0x9e: {  	s18 =	simm.s32 $0x11C80  }
0x9f: {  	[tilespmem:s18], [sflag:$0x3] =	stream.indirect_vreg.gather [hbm4b:s10+s30], $0x80, v5, vm0, $0xb8;
	[tilespmem:$0x18480] =	vst v63  }
0xa0: {  	s19 =	simm.s32 $0x12480  }
0xa1: {  	[tilespmem:s19], [sflag:$0x3] =	stream.indirect_vreg.gather [hbm4b:s11+s30], $0x80, v5, vm0, $0xb8;
	[tilespmem:$0x18480] =	vst v63  }
0xa2: {  	s20 =	simm.s32 $0x12C80;
	v4 =	vperm.xlane v4, v2  }
0xa3: {  	[tilespmem:s20], [sflag:$0x3] =	stream.indirect_vreg.gather [hbm4b:s12+s30], $0x80, v5, vm0, $0xb8;
	[tilespmem:$0x18480] =	vst v63  }
0xa4: {  	s21 =	simm.s32 $0x13480;
	v4 =	vadd.s32 v1, v4  }
0xa5: {  	[tilespmem:s21], [sflag:$0x3] =	stream.indirect_vreg.gather [hbm4b:s13+s30], $0x80, v5, vm0, $0xb8;
	[tilespmem:$0x18480] =	vst v63  }
0xa6: {  	s26 =	simm.s32 $0x13C80  }
0xa7: {  	[tilespmem:s26], [sflag:$0x3] =	stream.indirect_vreg.gather [hbm4b:s14+s30], $0x80, v5, vm0, $0xb8;
	[tilespmem:$0x18480] =	vst v63  }
0xa8: {  	s31 =	simm.s32 $0x14480  }
0xa9: {  	[tilespmem:s31], [sflag:$0x3] =	stream.indirect_vreg.gather [hbm4b:s1+s30], $0x80, v4, vm0, $0xb8;
	[tilespmem:$0x18480] =	vst v63  }
0xaa: {  	s6 =	simm.s32 $0x14C80  }
0xab: {  	[tilespmem:s6], [sflag:$0x3] =	stream.indirect_vreg.gather [hbm4b:s8+s30], $0x80, v4, vm0, $0xb8;
	[tilespmem:$0x18480] =	vst v63  }
0xac: {  	s7 =	simm.s32 $0x15480  }
0xad: {  	[tilespmem:s7], [sflag:$0x3] =	stream.indirect_vreg.gather [hbm4b:s9+s30], $0x80, v4, vm0, $0xb8;
	[tilespmem:$0x18480] =	vst v63  }
0xae: {  	s18 =	simm.s32 $0x15C80  }
0xaf: {  	[tilespmem:s18], [sflag:$0x3] =	stream.indirect_vreg.gather [hbm4b:s10+s30], $0x80, v4, vm0, $0xb8;
	[tilespmem:$0x18480] =	vst v63  }
0xb0: {  	s19 =	simm.s32 $0x16480  }
0xb1: {  	[tilespmem:s19], [sflag:$0x3] =	stream.indirect_vreg.gather [hbm4b:s11+s30], $0x80, v4, vm0, $0xb8;
	[tilespmem:$0x18480] =	vst v63  }
0xb2: {  	s20 =	simm.s32 $0x16C80  }
0xb3: {  	[tilespmem:s20], [sflag:$0x3] =	stream.indirect_vreg.gather [hbm4b:s12+s30], $0x80, v4, vm0, $0xb8;
	[tilespmem:$0x18480] =	vst v63  }
0xb4: {  	s21 =	simm.s32 $0x17480  }
0xb5: {  	[tilespmem:s21], [sflag:$0x3] =	stream.indirect_vreg.gather [hbm4b:s13+s30], $0x80, v4, vm0, $0xb8;
	[tilespmem:$0x18480] =	vst v63  }
0xb6: {  	s26 =	simm.s32 $0x17C80;
	s31 =	sand.u32 $0x4000, s30  }
0xb7: {  	[tilespmem:s26], [sflag:$0x3] =	stream.indirect_vreg.gather [hbm4b:s14+s30], $0x80, v4, vm0, $0xb8;
	[tilespmem:$0x18480] =	vst v63  }
0xb8: {  	s7 =	simm.s32 $0x0;
	s18 =	sand.u32 $0x3800, s30;
	_ =	swait.ge [sflag:s29], $0x8000  }
0xb9: {  	s6 =	sor.u32 s18, s31;
	s19 =	sand.u32 $0x380, s7;
	[sflag:s29] =	ssyncset.done $0x0  }
0xba: {  	s6 =	sor.u32 s6, s19;
	[sflag:s29] =	ssyncadd.s32 $0xFFFF8000  }
0xbb: {  	v4 =	vld [tilespmem:s6+$0x88F0]  }
0xbc: {  	v5 =	vld [tilespmem:s6+$0x8480]  }
0xbd: {  	v6 =	vld [tilespmem:s6+$0x8490]  }
0xbe: {  	v7 =	vld [tilespmem:s6+$0x84A0]  }
0xbf: {  	v9 =	vld [tilespmem:s6+$0x84B0]  }
0xc0: {  	v10 =	vld [tilespmem:s6+$0x84C0];
	v4 =	vmul.f32 v4, v3  }
0xc1: {  	v11 =	vld [tilespmem:s6+$0x84D0];
	v5 =	vmul.f32 v5, v3  }
0xc2: {  	v12 =	vld [tilespmem:s6+$0x84E0];
	v6 =	vmul.f32 v6, v3;
	[tilespmem:s6+$0x88F0] =	vst v4  }
0xc3: {  	v8 =	vld [tilespmem:s6+$0x84F0];
	[tilespmem:s6+$0x8480] =	vst v5;
	v4 =	vmul.f32 v7, v3  }
0xc4: {  	[tilespmem:s6+$0x8490] =	vst v6;
	v6 =	vmul.f32 v9, v3;
	v7 =	vld [tilespmem:s6+$0x8880]  }
0xc5: {  	v9 =	vmul.f32 v10, v3;
	v5 =	vld [tilespmem:s6+$0x8890];
	[tilespmem:s6+$0x84A0] =	vst v4  }
0xc6: {  	v10 =	vmul.f32 v11, v3;
	[tilespmem:s6+$0x84B0] =	vst v6;
	v4 =	vld [tilespmem:s6+$0x88A0]  }
0xc7: {  	s18 =	simm.s32 $0x800;
	s19 =	simm.s32 $0x100;
	[tilespmem:s6+$0x84C0] =	vst v9;
	v9 =	vmul.f32 v12, v3;
	v6 =	vld [tilespmem:s6+$0x88B0]  }
.LBB2_4:
0xc8: {  	s7 =	sadd.s32 $0x10, s7;
	s26 =	sand.u32 $0x4000, s19;
	s31 =	sand.u32 $0x3800, s18;
	[tilespmem:s6+$0x84D0] =	vst v10;
	v8 =	vmul.f32 v8, v3;
	v10 =	vld [tilespmem:s6+$0x88C0]  }
0xc9: {  	s20 =	sand.u32 $0x380, s7;
	s26 =	sor.u32 s31, s26;
	p0 =	slt.u32 s7, $0x7F0;
	[tilespmem:s6+$0x84E0] =	vst v9;
	v7 =	vmul.f32 v7, v3;
	v9 =	vld [tilespmem:s6+$0x88D0]  }
0xca: {  	s20 =	sor.u32 s26, s20;
	[tilespmem:s6+$0x84F0] =	vst v8;
	v5 =	vmul.f32 v5, v3;
	v8 =	vld [tilespmem:s6+$0x88E0]  }
0xcb: {  	v11 =	vld [tilespmem:s20+$0x88F0];
	[tilespmem:s6+$0x8880] =	vst v7;
	v4 =	vmul.f32 v4, v3  }
0xcc: {  	v7 =	vld [tilespmem:s20+$0x8480];
	[tilespmem:s6+$0x8890] =	vst v5;
	v5 =	vmul.f32 v6, v3  }
0xcd: {  	v6 =	vld [tilespmem:s20+$0x8490];
	[tilespmem:s6+$0x88A0] =	vst v4;
	v4 =	vmul.f32 v10, v3  }
0xce: {  	v10 =	vld [tilespmem:s20+$0x84A0];
	[tilespmem:s6+$0x88B0] =	vst v5;
	v5 =	vmul.f32 v9, v3  }
0xcf: {  	v9 =	vld [tilespmem:s20+$0x84B0];
	[tilespmem:s6+$0x88C0] =	vst v4;
	v4 =	vmul.f32 v8, v3  }
0xd0: {  	v12 =	vld [tilespmem:s20+$0x84C0];
	v8 =	vmul.f32 v11, v3;
	[tilespmem:s6+$0x88D0] =	vst v5  }
0xd1: {  	v5 =	vmul.f32 v7, v3;
	v11 =	vld [tilespmem:s20+$0x84D0];
	[tilespmem:s6+$0x88E0] =	vst v4;
	s6 =	smov.u32 s20  }
0xd2: {  	v4 =	vmul.f32 v6, v3;
	v6 =	vld [tilespmem:s6+$0x84E0];
	[tilespmem:s6+$0x88F0] =	vst v8  }
.Ltmp1:
0xd3: {  	[tilespmem:s6+$0x8480] =	vst v5;
	v5 =	vmul.f32 v10, v3;
	v8 =	vld [tilespmem:s6+$0x84F0];
	(pc) =	sbr.rel @p0 .LBB2_4-.Ltmp1, $4  }
0xd4: {  	[tilespmem:s6+$0x8490] =	vst v4;
	v4 =	vmul.f32 v9, v3;
	v7 =	vld [tilespmem:s6+$0x8880]  }
0xd5: {  	[tilespmem:s6+$0x84A0] =	vst v5;
	v9 =	vmul.f32 v12, v3;
	v5 =	vld [tilespmem:s6+$0x8890]  }
0xd6: {  	[tilespmem:s6+$0x84B0] =	vst v4;
	v10 =	vmul.f32 v11, v3;
	v4 =	vld [tilespmem:s6+$0x88A0]  }
0xd7: {  	s18 =	sadd.s32 $0x800, s18;
	s19 =	sadd.s32 $0x100, s19;
	[tilespmem:s6+$0x84C0] =	vst v9;
	v9 =	vmul.f32 v6, v3;
	v6 =	vld [tilespmem:s6+$0x88B0]  }
0xd8: {  	[tilespmem:s6+$0x84D0] =	vst v10;
	v8 =	vmul.f32 v8, v3;
	v61 =	vld [tilespmem:s6+$0x88C0]  }
0xd9: {  	v62 =	vld [tilespmem:s6+$0x88D0];
	[tilespmem:s6+$0x84E0] =	vst v9;
	v7 =	vmul.f32 v7, v3  }
0xda: {  	v63 =	vld [tilespmem:s6+$0x88E0];
	[tilespmem:s6+$0x84F0] =	vst v8;
	v5 =	vmul.f32 v5, v3  }
0xdb: {  	[tilespmem:s6+$0x8880] =	vst v7;
	v4 =	vmul.f32 v4, v3  }
0xdc: {  	[tilespmem:s6+$0x8890] =	vst v5;
	v5 =	vmul.f32 v6, v3  }
0xdd: {  	[tilespmem:s6+$0x88A0] =	vst v4;
	v4 =	vmul.f32 v61, v3  }
0xde: {  	[tilespmem:s6+$0x88B0] =	vst v5;
	v5 =	vmul.f32 v62, v3  }
0xdf: {  	[tilespmem:s6+$0x88C0] =	vst v4;
	v4 =	vmul.f32 v63, v3  }
0xe0: {  	[tilespmem:s6+$0x88D0] =	vst v5  }
0xe1: {  	[tilespmem:s6+$0x88E0] =	vst v4  }
.LBB2_6:
0xe2: {  	s26 =	smul.u32 $0x30, s30;
	_ =	sdelay $0x1  }
0xe3: {  	s6 =	sadd.s32 s26, s16  }
0xe4: {  	s6 =	sshll.u32 s6, $0x8  }
0xe5: {  	s7 =	simm.s32 $0x0;
	s6 =	sadd.s32 s3, s6  }
0xe6: {  	[hbm4b:s6+s7] =	stream.linear.scatter [tilespmem:s15], [sflag:$0x5], $0x8000, $0x38;
	[tilespmem:$0x18480] =	vst v63  }
0xe7: {  	_ =	swait.ge [sflag:s2], $0x8000  }
0xe8: {  	[sflag:s2] =	ssyncset.done $0x0  }
0xe9: {  	[sflag:s2] =	ssyncadd.s32 $0xFFFF8000  }
0xea: {  	v4 =	vld [tilespmem:s26+$0x30];
	_ =	sdelay $0x4  }
0xeb: {  	v5 =	vshll.u32 v4, $0x4  }
0xec: {  	v4 =	vand.u32 $0x7, v4;
	v5 =	vand.u32 $0xFFFFFF80, v5  }
0xed: {  	v4 =	vor.u32 v4, v5  }
0xee: {  	v5 =	vperm.xlane v4, v0;
	_ =	sdelay $0x1  }
0xef: {  	v5 =	vadd.s32 v1, v5;
	_ =	sdelay $0x4  }
0xf0: {  	[tilespmem:s24], [sflag:$0x1] =	stream.indirect_vreg.gather [hbm4b:s1+s7], $0x80, v5, vm0, $0xb8;
	[tilespmem:$0x18480] =	vst v63  }
0xf1: {  	s4 =	simm.s32 $0xC80  }
0xf2: {  	[tilespmem:s4], [sflag:$0x1] =	stream.indirect_vreg.gather [hbm4b:s8+s7], $0x80, v5, vm0, $0xb8;
	[tilespmem:$0x18480] =	vst v63  }
0xf3: {  	s6 =	simm.s32 $0x1480  }
0xf4: {  	[tilespmem:s6], [sflag:$0x1] =	stream.indirect_vreg.gather [hbm4b:s9+s7], $0x80, v5, vm0, $0xb8;
	[tilespmem:$0x18480] =	vst v63  }
0xf5: {  	s18 =	simm.s32 $0x1C80  }
0xf6: {  	[tilespmem:s18], [sflag:$0x1] =	stream.indirect_vreg.gather [hbm4b:s10+s7], $0x80, v5, vm0, $0xb8;
	[tilespmem:$0x18480] =	vst v63  }
0xf7: {  	s19 =	simm.s32 $0x2480  }
0xf8: {  	[tilespmem:s19], [sflag:$0x1] =	stream.indirect_vreg.gather [hbm4b:s11+s7], $0x80, v5, vm0, $0xb8;
	[tilespmem:$0x18480] =	vst v63  }
0xf9: {  	s20 =	simm.s32 $0x2C80;
	v4 =	vperm.xlane v4, v2  }
0xfa: {  	[tilespmem:s20], [sflag:$0x1] =	stream.indirect_vreg.gather [hbm4b:s12+s7], $0x80, v5, vm0, $0xb8;
	[tilespmem:$0x18480] =	vst v63  }
0xfb: {  	s21 =	simm.s32 $0x3480;
	v4 =	vadd.s32 v1, v4  }
0xfc: {  	[tilespmem:s21], [sflag:$0x1] =	stream.indirect_vreg.gather [hbm4b:s13+s7], $0x80, v5, vm0, $0xb8;
	[tilespmem:$0x18480] =	vst v63  }
0xfd: {  	s6 =	simm.s32 $0x3C80  }
0xfe: {  	[tilespmem:s6], [sflag:$0x1] =	stream.indirect_vreg.gather [hbm4b:s14+s7], $0x80, v5, vm0, $0xb8;
	[tilespmem:$0x18480] =	vst v63  }
0xff: {  	s18 =	simm.s32 $0x4480  }
0x100: {  	[tilespmem:s18], [sflag:$0x1] =	stream.indirect_vreg.gather [hbm4b:s1+s7], $0x80, v4, vm0, $0xb8;
	[tilespmem:$0x18480] =	vst v63  }
0x101: {  	s19 =	simm.s32 $0x4C80  }
0x102: {  	[tilespmem:s19], [sflag:$0x1] =	stream.indirect_vreg.gather [hbm4b:s8+s7], $0x80, v4, vm0, $0xb8;
	[tilespmem:$0x18480] =	vst v63  }
0x103: {  	s20 =	simm.s32 $0x5480  }
0x104: {  	[tilespmem:s20], [sflag:$0x1] =	stream.indirect_vreg.gather [hbm4b:s9+s7], $0x80, v4, vm0, $0xb8;
	[tilespmem:$0x18480] =	vst v63  }
0x105: {  	s21 =	simm.s32 $0x5C80  }
0x106: {  	[tilespmem:s21], [sflag:$0x1] =	stream.indirect_vreg.gather [hbm4b:s10+s7], $0x80, v4, vm0, $0xb8;
	[tilespmem:$0x18480] =	vst v63  }
0x107: {  	s6 =	simm.s32 $0x6480  }
0x108: {  	[tilespmem:s6], [sflag:$0x1] =	stream.indirect_vreg.gather [hbm4b:s11+s7], $0x80, v4, vm0, $0xb8;
	[tilespmem:$0x18480] =	vst v63  }
0x109: {  	s18 =	simm.s32 $0x6C80  }
0x10a: {  	[tilespmem:s18], [sflag:$0x1] =	stream.indirect_vreg.gather [hbm4b:s12+s7], $0x80, v4, vm0, $0xb8;
	[tilespmem:$0x18480] =	vst v63  }
0x10b: {  	s19 =	simm.s32 $0x7480  }
0x10c: {  	[tilespmem:s19], [sflag:$0x1] =	stream.indirect_vreg.gather [hbm4b:s13+s7], $0x80, v4, vm0, $0xb8;
	[tilespmem:$0x18480] =	vst v63  }
0x10d: {  	s31 =	simm.s32 $0x0;
	s20 =	simm.s32 $0x7C80  }
0x10e: {  	[tilespmem:s20], [sflag:$0x1] =	stream.indirect_vreg.gather [hbm4b:s14+s7], $0x80, v4, vm0, $0xb8;
	[tilespmem:$0x18480] =	vst v63  }
0x10f: {  	s21 =	sand.u32 $0x4000, s7;
	s7 =	sand.u32 $0x3800, s7;
	_ =	swait.ge [sflag:s28], $0x8000  }
0x110: {  	s18 =	sand.u32 $0x380, s31;
	s6 =	sor.u32 s7, s21;
	[sflag:s28] =	ssyncset.done $0x0  }
0x111: {  	s6 =	sor.u32 s6, s18;
	[sflag:s28] =	ssyncadd.s32 $0xFFFF8000  }
0x112: {  	s7 =	sadd.s32 $0x10480, s6;
	v4 =	vld [tilespmem:s6+$0x10480]  }
0x113: {  	v5 =	vld [tilespmem:s7+$0x470]  }
0x114: {  	v6 =	vld [tilespmem:s7+$0x10]  }
0x115: {  	v7 =	vld [tilespmem:s7+$0x20]  }
0x116: {  	v9 =	vld [tilespmem:s7+$0x30]  }
0x117: {  	v10 =	vld [tilespmem:s7+$0x40];
	v4 =	vmul.f32 v4, v3  }
0x118: {  	v11 =	vld [tilespmem:s7+$0x50];
	v5 =	vmul.f32 v5, v3  }
0x119: {  	[tilespmem:s6+$0x10480] =	vst v4;
	v4 =	vmul.f32 v6, v3;
	v6 =	vld [tilespmem:s7+$0x60]  }
0x11a: {  	v8 =	vld [tilespmem:s7+$0x70];
	v12 =	vmul.f32 v7, v3;
	[tilespmem:s7+$0x470] =	vst v5  }
0x11b: {  	v7 =	vld [tilespmem:s7+$0x400];
	[tilespmem:s7+$0x10] =	vst v4;
	v4 =	vmul.f32 v9, v3  }
0x11c: {  	[tilespmem:s7+$0x20] =	vst v12;
	v5 =	vld [tilespmem:s7+$0x410];
	v9 =	vmul.f32 v10, v3  }
0x11d: {  	v10 =	vmul.f32 v11, v3;
	[tilespmem:s7+$0x30] =	vst v4;
	v4 =	vld [tilespmem:s7+$0x420]  }
0x11e: {  	s19 =	simm.s32 $0x100;
	s18 =	simm.s32 $0x800;
	s6 =	sadd.s32 $0x30, s26;
	[tilespmem:s7+$0x40] =	vst v9;
	v9 =	vmul.f32 v6, v3;
	v6 =	vld [tilespmem:s7+$0x430]  }
.LBB2_7:
0x11f: {  	s31 =	sadd.s32 $0x10, s31;
	s20 =	sand.u32 $0x4000, s19;
	s21 =	sand.u32 $0x3800, s18;
	[tilespmem:s7+$0x50] =	vst v10;
	v8 =	vmul.f32 v8, v3;
	v10 =	vld [tilespmem:s7+$0x440]  }
0x120: {  	s4 =	sand.u32 $0x380, s31;
	s20 =	sor.u32 s21, s20;
	p0 =	slt.u32 s31, $0x7F0;
	[tilespmem:s7+$0x60] =	vst v9;
	v7 =	vmul.f32 v7, v3;
	v9 =	vld [tilespmem:s7+$0x450]  }
0x121: {  	s4 =	sor.u32 s20, s4;
	[tilespmem:s7+$0x70] =	vst v8;
	v5 =	vmul.f32 v5, v3;
	v8 =	vld [tilespmem:s7+$0x460]  }
0x122: {  	s20 =	sadd.s32 $0x10480, s4;
	v11 =	vld [tilespmem:s4+$0x10480];
	[tilespmem:s7+$0x400] =	vst v7;
	v4 =	vmul.f32 v4, v3  }
0x123: {  	v7 =	vld [tilespmem:s20+$0x470];
	[tilespmem:s7+$0x410] =	vst v5;
	v5 =	vmul.f32 v6, v3  }
0x124: {  	v6 =	vld [tilespmem:s20+$0x10];
	[tilespmem:s7+$0x420] =	vst v4;
	v4 =	vmul.f32 v10, v3  }
0x125: {  	v10 =	vld [tilespmem:s20+$0x20];
	[tilespmem:s7+$0x430] =	vst v5;
	v5 =	vmul.f32 v9, v3  }
0x126: {  	v9 =	vld [tilespmem:s20+$0x30];
	[tilespmem:s7+$0x440] =	vst v4;
	v4 =	vmul.f32 v8, v3  }
0x127: {  	v8 =	vmul.f32 v11, v3;
	v11 =	vld [tilespmem:s20+$0x40];
	[tilespmem:s7+$0x450] =	vst v5  }
0x128: {  	v12 =	vld [tilespmem:s20+$0x50];
	v5 =	vmul.f32 v7, v3;
	[tilespmem:s7+$0x460] =	vst v4;
	s7 =	smov.u32 s20  }
0x129: {  	[tilespmem:s4+$0x10480] =	vst v8;
	v4 =	vmul.f32 v6, v3;
	v6 =	vld [tilespmem:s7+$0x60]  }
.Ltmp2:
0x12a: {  	v10 =	vmul.f32 v10, v3;
	v8 =	vld [tilespmem:s7+$0x70];
	[tilespmem:s7+$0x470] =	vst v5;
	(pc) =	sbr.rel @p0 .LBB2_7-.Ltmp2, $4  }
0x12b: {  	[tilespmem:s7+$0x10] =	vst v4;
	v4 =	vmul.f32 v9, v3;
	v7 =	vld [tilespmem:s7+$0x400]  }
0x12c: {  	[tilespmem:s7+$0x20] =	vst v10;
	v9 =	vmul.f32 v11, v3;
	v5 =	vld [tilespmem:s7+$0x410]  }
0x12d: {  	[tilespmem:s7+$0x30] =	vst v4;
	v10 =	vmul.f32 v12, v3;
	v4 =	vld [tilespmem:s7+$0x420]  }
0x12e: {  	s18 =	sadd.s32 $0x800, s18;
	s19 =	sadd.s32 $0x100, s19;
	[tilespmem:s7+$0x40] =	vst v9;
	v9 =	vmul.f32 v6, v3;
	v6 =	vld [tilespmem:s7+$0x430]  }
0x12f: {  	[tilespmem:s7+$0x50] =	vst v10;
	v8 =	vmul.f32 v8, v3;
	v10 =	vld [tilespmem:s7+$0x440]  }
0x130: {  	[tilespmem:s7+$0x60] =	vst v9;
	v7 =	vmul.f32 v7, v3;
	v9 =	vld [tilespmem:s7+$0x450]  }
0x131: {  	[tilespmem:s7+$0x70] =	vst v8;
	v5 =	vmul.f32 v5, v3;
	v8 =	vld [tilespmem:s7+$0x460]  }
0x132: {  	[tilespmem:s7+$0x400] =	vst v7;
	v4 =	vmul.f32 v4, v3  }
0x133: {  	[tilespmem:s7+$0x410] =	vst v5;
	v5 =	vmul.f32 v6, v3  }
0x134: {  	[tilespmem:s7+$0x420] =	vst v4;
	v4 =	vmul.f32 v10, v3  }
0x135: {  	[tilespmem:s7+$0x430] =	vst v5;
	v5 =	vmul.f32 v9, v3  }
0x136: {  	s4 =	sadd.s32 s26, s17;
	[tilespmem:s7+$0x440] =	vst v4;
	v4 =	vmul.f32 v8, v3  }
0x137: {  	s4 =	sshll.u32 s4, $0x8;
	[tilespmem:s7+$0x450] =	vst v5  }
0x138: {  	s4 =	sadd.s32 s3, s4;
	[tilespmem:s7+$0x460] =	vst v4;
	s7 =	simm.s32 $0x0  }
0x139: {  	[hbm4b:s4+s7] =	stream.linear.scatter [tilespmem:s25], [sflag:$0x6], $0x8000, $0x38;
	[tilespmem:$0x18480] =	vst v63  }
0x13a: {  	s26 =	smul.u32 $0xC0, s30;
	_ =	swait.ge [sflag:s0], $0x8000  }
0x13b: {  	[sflag:s0] =	ssyncset.done $0x0  }
0x13c: {  	s26 =	sshra.s32 s26, $0x2;
	[sflag:s0] =	ssyncadd.s32 $0xFFFF8000  }
0x13d: {  	v4 =	vld [tilespmem:s26+$0x40];
	_ =	sdelay $0x4  }
0x13e: {  	v5 =	vshll.u32 v4, $0x4  }
0x13f: {  	v4 =	vand.u32 $0x7, v4;
	v5 =	vand.u32 $0xFFFFFF80, v5  }
0x140: {  	v4 =	vor.u32 v4, v5  }
0x141: {  	v5 =	vperm.xlane v4, v0;
	_ =	sdelay $0x1  }
0x142: {  	v5 =	vadd.s32 v1, v5;
	_ =	sdelay $0x4  }
0x143: {  	[tilespmem:s15], [sflag:$0x2] =	stream.indirect_vreg.gather [hbm4b:s1+s7], $0x80, v5, vm0, $0xb8;
	[tilespmem:$0x18480] =	vst v63  }
0x144: {  	s18 =	simm.s32 $0x8C80  }
0x145: {  	[tilespmem:s18], [sflag:$0x2] =	stream.indirect_vreg.gather [hbm4b:s8+s7], $0x80, v5, vm0, $0xb8;
	[tilespmem:$0x18480] =	vst v63  }
0x146: {  	s19 =	simm.s32 $0x9480  }
0x147: {  	[tilespmem:s19], [sflag:$0x2] =	stream.indirect_vreg.gather [hbm4b:s9+s7], $0x80, v5, vm0, $0xb8;
	[tilespmem:$0x18480] =	vst v63  }
0x148: {  	s20 =	simm.s32 $0x9C80  }
0x149: {  	[tilespmem:s20], [sflag:$0x2] =	stream.indirect_vreg.gather [hbm4b:s10+s7], $0x80, v5, vm0, $0xb8;
	[tilespmem:$0x18480] =	vst v63  }
0x14a: {  	s21 =	simm.s32 $0xA480  }
0x14b: {  	[tilespmem:s21], [sflag:$0x2] =	stream.indirect_vreg.gather [hbm4b:s11+s7], $0x80, v5, vm0, $0xb8;
	[tilespmem:$0x18480] =	vst v63  }
0x14c: {  	v4 =	vperm.xlane v4, v2;
	s18 =	simm.s32 $0xAC80  }
0x14d: {  	[tilespmem:s18], [sflag:$0x2] =	stream.indirect_vreg.gather [hbm4b:s12+s7], $0x80, v5, vm0, $0xb8;
	[tilespmem:$0x18480] =	vst v63  }
0x14e: {  	v4 =	vadd.s32 v1, v4;
	s19 =	simm.s32 $0xB480  }
0x14f: {  	[tilespmem:s19], [sflag:$0x2] =	stream.indirect_vreg.gather [hbm4b:s13+s7], $0x80, v5, vm0, $0xb8;
	[tilespmem:$0x18480] =	vst v63  }
0x150: {  	s20 =	simm.s32 $0xBC80  }
0x151: {  	[tilespmem:s20], [sflag:$0x2] =	stream.indirect_vreg.gather [hbm4b:s14+s7], $0x80, v5, vm0, $0xb8;
	[tilespmem:$0x18480] =	vst v63  }
0x152: {  	s21 =	simm.s32 $0xC480  }
0x153: {  	[tilespmem:s21], [sflag:$0x2] =	stream.indirect_vreg.gather [hbm4b:s1+s7], $0x80, v4, vm0, $0xb8;
	[tilespmem:$0x18480] =	vst v63  }
0x154: {  	s18 =	simm.s32 $0xCC80  }
0x155: {  	[tilespmem:s18], [sflag:$0x2] =	stream.indirect_vreg.gather [hbm4b:s8+s7], $0x80, v4, vm0, $0xb8;
	[tilespmem:$0x18480] =	vst v63  }
0x156: {  	s19 =	simm.s32 $0xD480  }
0x157: {  	[tilespmem:s19], [sflag:$0x2] =	stream.indirect_vreg.gather [hbm4b:s9+s7], $0x80, v4, vm0, $0xb8;
	[tilespmem:$0x18480] =	vst v63  }
0x158: {  	s20 =	simm.s32 $0xDC80  }
0x159: {  	[tilespmem:s20], [sflag:$0x2] =	stream.indirect_vreg.gather [hbm4b:s10+s7], $0x80, v4, vm0, $0xb8;
	[tilespmem:$0x18480] =	vst v63  }
0x15a: {  	s21 =	simm.s32 $0xE480  }
0x15b: {  	[tilespmem:s21], [sflag:$0x2] =	stream.indirect_vreg.gather [hbm4b:s11+s7], $0x80, v4, vm0, $0xb8;
	[tilespmem:$0x18480] =	vst v63  }
0x15c: {  	s18 =	simm.s32 $0xEC80  }
0x15d: {  	[tilespmem:s18], [sflag:$0x2] =	stream.indirect_vreg.gather [hbm4b:s12+s7], $0x80, v4, vm0, $0xb8;
	[tilespmem:$0x18480] =	vst v63  }
0x15e: {  	s19 =	simm.s32 $0xF480  }
0x15f: {  	[tilespmem:s19], [sflag:$0x2] =	stream.indirect_vreg.gather [hbm4b:s13+s7], $0x80, v4, vm0, $0xb8;
	[tilespmem:$0x18480] =	vst v63  }
0x160: {  	s31 =	simm.s32 $0x0;
	s20 =	simm.s32 $0xFC80  }
0x161: {  	[tilespmem:s20], [sflag:$0x2] =	stream.indirect_vreg.gather [hbm4b:s14+s7], $0x80, v4, vm0, $0xb8;
	[tilespmem:$0x18480] =	vst v63  }
0x162: {  	s21 =	sand.u32 $0x4000, s7;
	s7 =	sand.u32 $0x3800, s7;
	_ =	swait.ge [sflag:s22], $0x8000  }
0x163: {  	s18 =	sand.u32 $0x380, s31;
	s4 =	sor.u32 s7, s21;
	[sflag:s22] =	ssyncset.done $0x0  }
0x164: {  	s7 =	sor.u32 s4, s18;
	[sflag:s22] =	ssyncadd.s32 $0xFFFF8000  }
0x165: {  	v4 =	vld [tilespmem:s7+$0x8F0]  }
0x166: {  	v5 =	vld [tilespmem:s7+$0x480]  }
0x167: {  	v6 =	vld [tilespmem:s7+$0x490]  }
0x168: {  	v7 =	vld [tilespmem:s7+$0x4A0]  }
0x169: {  	v9 =	vld [tilespmem:s7+$0x4B0]  }
0x16a: {  	v10 =	vld [tilespmem:s7+$0x4C0];
	v4 =	vmul.f32 v4, v3  }
0x16b: {  	v11 =	vld [tilespmem:s7+$0x4D0];
	v5 =	vmul.f32 v5, v3  }
0x16c: {  	v12 =	vld [tilespmem:s7+$0x4E0];
	v6 =	vmul.f32 v6, v3;
	[tilespmem:s7+$0x8F0] =	vst v4  }
0x16d: {  	v8 =	vld [tilespmem:s7+$0x4F0];
	[tilespmem:s7+$0x480] =	vst v5;
	v4 =	vmul.f32 v7, v3  }
0x16e: {  	[tilespmem:s7+$0x490] =	vst v6;
	v6 =	vmul.f32 v9, v3;
	v7 =	vld [tilespmem:s7+$0x880]  }
0x16f: {  	v9 =	vmul.f32 v10, v3;
	v5 =	vld [tilespmem:s7+$0x890];
	[tilespmem:s7+$0x4A0] =	vst v4  }
0x170: {  	v10 =	vmul.f32 v11, v3;
	[tilespmem:s7+$0x4B0] =	vst v6;
	v4 =	vld [tilespmem:s7+$0x8A0]  }
0x171: {  	s19 =	simm.s32 $0x100;
	s18 =	simm.s32 $0x800;
	[tilespmem:s7+$0x4C0] =	vst v9;
	v9 =	vmul.f32 v12, v3;
	v6 =	vld [tilespmem:s7+$0x8B0]  }
.LBB2_9:
0x172: {  	s31 =	sadd.s32 $0x10, s31;
	s4 =	sand.u32 $0x4000, s19;
	s20 =	sand.u32 $0x3800, s18;
	[tilespmem:s7+$0x4D0] =	vst v10;
	v8 =	vmul.f32 v8, v3;
	v10 =	vld [tilespmem:s7+$0x8C0]  }
0x173: {  	s21 =	sand.u32 $0x380, s31;
	s4 =	sor.u32 s20, s4;
	p0 =	slt.u32 s31, $0x7F0;
	[tilespmem:s7+$0x4E0] =	vst v9;
	v7 =	vmul.f32 v7, v3;
	v9 =	vld [tilespmem:s7+$0x8D0]  }
0x174: {  	s4 =	sor.u32 s4, s21;
	[tilespmem:s7+$0x4F0] =	vst v8;
	v5 =	vmul.f32 v5, v3;
	v8 =	vld [tilespmem:s7+$0x8E0]  }
0x175: {  	v11 =	vld [tilespmem:s4+$0x8F0];
	[tilespmem:s7+$0x880] =	vst v7;
	v4 =	vmul.f32 v4, v3  }
0x176: {  	v7 =	vld [tilespmem:s4+$0x480];
	[tilespmem:s7+$0x890] =	vst v5;
	v5 =	vmul.f32 v6, v3  }
0x177: {  	v6 =	vld [tilespmem:s4+$0x490];
	[tilespmem:s7+$0x8A0] =	vst v4;
	v4 =	vmul.f32 v10, v3  }
0x178: {  	v10 =	vld [tilespmem:s4+$0x4A0];
	[tilespmem:s7+$0x8B0] =	vst v5;
	v5 =	vmul.f32 v9, v3  }
0x179: {  	v9 =	vld [tilespmem:s4+$0x4B0];
	[tilespmem:s7+$0x8C0] =	vst v4;
	v4 =	vmul.f32 v8, v3  }
0x17a: {  	v12 =	vld [tilespmem:s4+$0x4C0];
	v8 =	vmul.f32 v11, v3;
	[tilespmem:s7+$0x8D0] =	vst v5  }
0x17b: {  	v5 =	vmul.f32 v7, v3;
	v11 =	vld [tilespmem:s4+$0x4D0];
	[tilespmem:s7+$0x8E0] =	vst v4;
	s7 =	smov.u32 s4  }
0x17c: {  	v4 =	vmul.f32 v6, v3;
	v6 =	vld [tilespmem:s7+$0x4E0];
	[tilespmem:s7+$0x8F0] =	vst v8  }
.Ltmp3:
0x17d: {  	[tilespmem:s7+$0x480] =	vst v5;
	v5 =	vmul.f32 v10, v3;
	v8 =	vld [tilespmem:s7+$0x4F0];
	(pc) =	sbr.rel @p0 .LBB2_9-.Ltmp3, $4  }
0x17e: {  	[tilespmem:s7+$0x490] =	vst v4;
	v4 =	vmul.f32 v9, v3;
	v7 =	vld [tilespmem:s7+$0x880]  }
0x17f: {  	[tilespmem:s7+$0x4A0] =	vst v5;
	v9 =	vmul.f32 v12, v3;
	v5 =	vld [tilespmem:s7+$0x890]  }
0x180: {  	[tilespmem:s7+$0x4B0] =	vst v4;
	v10 =	vmul.f32 v11, v3;
	v4 =	vld [tilespmem:s7+$0x8A0]  }
0x181: {  	s18 =	sadd.s32 $0x800, s18;
	s19 =	sadd.s32 $0x100, s19;
	[tilespmem:s7+$0x4C0] =	vst v9;
	v9 =	vmul.f32 v6, v3;
	v6 =	vld [tilespmem:s7+$0x8B0]  }
0x182: {  	[tilespmem:s7+$0x4D0] =	vst v10;
	v8 =	vmul.f32 v8, v3;
	v10 =	vld [tilespmem:s7+$0x8C0]  }
0x183: {  	[tilespmem:s7+$0x4E0] =	vst v9;
	v7 =	vmul.f32 v7, v3;
	v9 =	vld [tilespmem:s7+$0x8D0]  }
0x184: {  	[tilespmem:s7+$0x4F0] =	vst v8;
	v5 =	vmul.f32 v5, v3;
	v8 =	vld [tilespmem:s7+$0x8E0]  }
0x185: {  	[tilespmem:s7+$0x880] =	vst v7;
	v4 =	vmul.f32 v4, v3  }
0x186: {  	[tilespmem:s7+$0x890] =	vst v5;
	v5 =	vmul.f32 v6, v3  }
0x187: {  	[tilespmem:s7+$0x8A0] =	vst v4;
	v4 =	vmul.f32 v10, v3  }
0x188: {  	[tilespmem:s7+$0x8B0] =	vst v5;
	v5 =	vmul.f32 v9, v3  }
0x189: {  	s4 =	sadd.s32 s5, s6;
	[tilespmem:s7+$0x8C0] =	vst v4;
	v4 =	vmul.f32 v8, v3  }
0x18a: {  	s4 =	sshll.u32 s4, $0x8;
	[tilespmem:s7+$0x8D0] =	vst v5  }
0x18b: {  	s6 =	simm.s32 $0x0;
	s4 =	sadd.s32 s3, s4;
	[tilespmem:s7+$0x8E0] =	vst v4  }
0x18c: {  	[hbm4b:s4+s6] =	stream.linear.scatter [tilespmem:s24], [sflag:$0x4], $0x8000, $0x38;
	[tilespmem:$0x18480] =	vst v63  }
0x18d: {  	_ =	swait.ge [sflag:s23], $0x8000  }
0x18e: {  	[sflag:s23] =	ssyncset.done $0x0  }
0x18f: {  	[sflag:s23] =	ssyncadd.s32 $0xFFFF8000  }
0x190: {  	v4 =	vld [tilespmem:s26+$0x50];
	_ =	sdelay $0x4  }
0x191: {  	v5 =	vshll.u32 v4, $0x4  }
0x192: {  	v4 =	vand.u32 $0x7, v4;
	v5 =	vand.u32 $0xFFFFFF80, v5  }
0x193: {  	v4 =	vor.u32 v4, v5  }
0x194: {  	v5 =	vperm.xlane v4, v0;
	_ =	sdelay $0x1  }
0x195: {  	v5 =	vadd.s32 v1, v5;
	_ =	sdelay $0x4  }
0x196: {  	[tilespmem:s25], [sflag:$0x3] =	stream.indirect_vreg.gather [hbm4b:s1+s6], $0x80, v5, vm0, $0xb8;
	[tilespmem:$0x18480] =	vst v63  }
0x197: {  	s26 =	simm.s32 $0x10C80  }
0x198: {  	[tilespmem:s26], [sflag:$0x3] =	stream.indirect_vreg.gather [hbm4b:s8+s6], $0x80, v5, vm0, $0xb8;
	[tilespmem:$0x18480] =	vst v63  }
0x199: {  	s31 =	simm.s32 $0x11480  }
0x19a: {  	[tilespmem:s31], [sflag:$0x3] =	stream.indirect_vreg.gather [hbm4b:s9+s6], $0x80, v5, vm0, $0xb8;
	[tilespmem:$0x18480] =	vst v63  }
0x19b: {  	s7 =	simm.s32 $0x11C80  }
0x19c: {  	[tilespmem:s7], [sflag:$0x3] =	stream.indirect_vreg.gather [hbm4b:s10+s6], $0x80, v5, vm0, $0xb8;
	[tilespmem:$0x18480] =	vst v63  }
0x19d: {  	s18 =	simm.s32 $0x12480  }
0x19e: {  	[tilespmem:s18], [sflag:$0x3] =	stream.indirect_vreg.gather [hbm4b:s11+s6], $0x80, v5, vm0, $0xb8;
	[tilespmem:$0x18480] =	vst v63  }
0x19f: {  	s19 =	simm.s32 $0x12C80;
	v4 =	vperm.xlane v4, v2  }
0x1a0: {  	[tilespmem:s19], [sflag:$0x3] =	stream.indirect_vreg.gather [hbm4b:s12+s6], $0x80, v5, vm0, $0xb8;
	[tilespmem:$0x18480] =	vst v63  }
0x1a1: {  	s20 =	simm.s32 $0x13480;
	v4 =	vadd.s32 v1, v4  }
0x1a2: {  	[tilespmem:s20], [sflag:$0x3] =	stream.indirect_vreg.gather [hbm4b:s13+s6], $0x80, v5, vm0, $0xb8;
	[tilespmem:$0x18480] =	vst v63  }
0x1a3: {  	s21 =	simm.s32 $0x13C80  }
0x1a4: {  	[tilespmem:s21], [sflag:$0x3] =	stream.indirect_vreg.gather [hbm4b:s14+s6], $0x80, v5, vm0, $0xb8;
	[tilespmem:$0x18480] =	vst v63  }
0x1a5: {  	s26 =	simm.s32 $0x14480  }
0x1a6: {  	[tilespmem:s26], [sflag:$0x3] =	stream.indirect_vreg.gather [hbm4b:s1+s6], $0x80, v4, vm0, $0xb8;
	[tilespmem:$0x18480] =	vst v63  }
0x1a7: {  	s31 =	simm.s32 $0x14C80  }
0x1a8: {  	[tilespmem:s31], [sflag:$0x3] =	stream.indirect_vreg.gather [hbm4b:s8+s6], $0x80, v4, vm0, $0xb8;
	[tilespmem:$0x18480] =	vst v63  }
0x1a9: {  	s7 =	simm.s32 $0x15480  }
0x1aa: {  	[tilespmem:s7], [sflag:$0x3] =	stream.indirect_vreg.gather [hbm4b:s9+s6], $0x80, v4, vm0, $0xb8;
	[tilespmem:$0x18480] =	vst v63  }
0x1ab: {  	s18 =	simm.s32 $0x15C80  }
0x1ac: {  	[tilespmem:s18], [sflag:$0x3] =	stream.indirect_vreg.gather [hbm4b:s10+s6], $0x80, v4, vm0, $0xb8;
	[tilespmem:$0x18480] =	vst v63  }
0x1ad: {  	s19 =	simm.s32 $0x16480  }
0x1ae: {  	[tilespmem:s19], [sflag:$0x3] =	stream.indirect_vreg.gather [hbm4b:s11+s6], $0x80, v4, vm0, $0xb8;
	[tilespmem:$0x18480] =	vst v63  }
0x1af: {  	s20 =	simm.s32 $0x16C80  }
0x1b0: {  	[tilespmem:s20], [sflag:$0x3] =	stream.indirect_vreg.gather [hbm4b:s12+s6], $0x80, v4, vm0, $0xb8;
	[tilespmem:$0x18480] =	vst v63  }
0x1b1: {  	s21 =	simm.s32 $0x17480  }
0x1b2: {  	[tilespmem:s21], [sflag:$0x3] =	stream.indirect_vreg.gather [hbm4b:s13+s6], $0x80, v4, vm0, $0xb8;
	[tilespmem:$0x18480] =	vst v63  }
0x1b3: {  	s26 =	simm.s32 $0x17C80;
	s31 =	sand.u32 $0x4000, s6  }
0x1b4: {  	[tilespmem:s26], [sflag:$0x3] =	stream.indirect_vreg.gather [hbm4b:s14+s6], $0x80, v4, vm0, $0xb8;
	[tilespmem:$0x18480] =	vst v63  }
0x1b5: {  	s7 =	simm.s32 $0x0;
	s6 =	sand.u32 $0x3800, s6;
	_ =	swait.ge [sflag:s29], $0x8000  }
0x1b6: {  	s18 =	sand.u32 $0x380, s7;
	s4 =	sor.u32 s6, s31;
	[sflag:s29] =	ssyncset.done $0x0  }
0x1b7: {  	s6 =	sor.u32 s4, s18;
	[sflag:s29] =	ssyncadd.s32 $0xFFFF8000  }
0x1b8: {  	v4 =	vld [tilespmem:s6+$0x88F0]  }
0x1b9: {  	v5 =	vld [tilespmem:s6+$0x8480]  }
0x1ba: {  	v6 =	vld [tilespmem:s6+$0x8490]  }
0x1bb: {  	v7 =	vld [tilespmem:s6+$0x84A0]  }
0x1bc: {  	v9 =	vld [tilespmem:s6+$0x84B0]  }
0x1bd: {  	v10 =	vld [tilespmem:s6+$0x84C0];
	v4 =	vmul.f32 v4, v3  }
0x1be: {  	v11 =	vld [tilespmem:s6+$0x84D0];
	v5 =	vmul.f32 v5, v3  }
0x1bf: {  	v12 =	vld [tilespmem:s6+$0x84E0];
	v6 =	vmul.f32 v6, v3;
	[tilespmem:s6+$0x88F0] =	vst v4  }
0x1c0: {  	v8 =	vld [tilespmem:s6+$0x84F0];
	[tilespmem:s6+$0x8480] =	vst v5;
	v4 =	vmul.f32 v7, v3  }
0x1c1: {  	[tilespmem:s6+$0x8490] =	vst v6;
	v6 =	vmul.f32 v9, v3;
	v7 =	vld [tilespmem:s6+$0x8880]  }
0x1c2: {  	v9 =	vmul.f32 v10, v3;
	v5 =	vld [tilespmem:s6+$0x8890];
	[tilespmem:s6+$0x84A0] =	vst v4  }
0x1c3: {  	v10 =	vmul.f32 v11, v3;
	[tilespmem:s6+$0x84B0] =	vst v6;
	v4 =	vld [tilespmem:s6+$0x88A0]  }
0x1c4: {  	s19 =	simm.s32 $0x100;
	s18 =	simm.s32 $0x800;
	[tilespmem:s6+$0x84C0] =	vst v9;
	v9 =	vmul.f32 v12, v3;
	v6 =	vld [tilespmem:s6+$0x88B0]  }
.LBB2_11:
0x1c5: {  	s7 =	sadd.s32 $0x10, s7;
	s4 =	sand.u32 $0x4000, s19;
	s20 =	sand.u32 $0x3800, s18;
	[tilespmem:s6+$0x84D0] =	vst v10;
	v8 =	vmul.f32 v8, v3;
	v10 =	vld [tilespmem:s6+$0x88C0]  }
0x1c6: {  	s21 =	sand.u32 $0x380, s7;
	s4 =	sor.u32 s20, s4;
	p0 =	slt.u32 s7, $0x7F0;
	[tilespmem:s6+$0x84E0] =	vst v9;
	v7 =	vmul.f32 v7, v3;
	v9 =	vld [tilespmem:s6+$0x88D0]  }
0x1c7: {  	s4 =	sor.u32 s4, s21;
	[tilespmem:s6+$0x84F0] =	vst v8;
	v5 =	vmul.f32 v5, v3;
	v8 =	vld [tilespmem:s6+$0x88E0]  }
0x1c8: {  	v11 =	vld [tilespmem:s4+$0x88F0];
	[tilespmem:s6+$0x8880] =	vst v7;
	v4 =	vmul.f32 v4, v3  }
0x1c9: {  	v7 =	vld [tilespmem:s4+$0x8480];
	[tilespmem:s6+$0x8890] =	vst v5;
	v5 =	vmul.f32 v6, v3  }
0x1ca: {  	v6 =	vld [tilespmem:s4+$0x8490];
	[tilespmem:s6+$0x88A0] =	vst v4;
	v4 =	vmul.f32 v10, v3  }
0x1cb: {  	v10 =	vld [tilespmem:s4+$0x84A0];
	[tilespmem:s6+$0x88B0] =	vst v5;
	v5 =	vmul.f32 v9, v3  }
0x1cc: {  	v9 =	vld [tilespmem:s4+$0x84B0];
	[tilespmem:s6+$0x88C0] =	vst v4;
	v4 =	vmul.f32 v8, v3  }
0x1cd: {  	v12 =	vld [tilespmem:s4+$0x84C0];
	v8 =	vmul.f32 v11, v3;
	[tilespmem:s6+$0x88D0] =	vst v5  }
0x1ce: {  	v5 =	vmul.f32 v7, v3;
	v11 =	vld [tilespmem:s4+$0x84D0];
	[tilespmem:s6+$0x88E0] =	vst v4;
	s6 =	smov.u32 s4  }
0x1cf: {  	v4 =	vmul.f32 v6, v3;
	v6 =	vld [tilespmem:s6+$0x84E0];
	[tilespmem:s6+$0x88F0] =	vst v8  }
.Ltmp4:
0x1d0: {  	[tilespmem:s6+$0x8480] =	vst v5;
	v5 =	vmul.f32 v10, v3;
	v8 =	vld [tilespmem:s6+$0x84F0];
	(pc) =	sbr.rel @p0 .LBB2_11-.Ltmp4, $4  }
0x1d1: {  	[tilespmem:s6+$0x8490] =	vst v4;
	v4 =	vmul.f32 v9, v3;
	v7 =	vld [tilespmem:s6+$0x8880]  }
0x1d2: {  	[tilespmem:s6+$0x84A0] =	vst v5;
	v9 =	vmul.f32 v12, v3;
	v5 =	vld [tilespmem:s6+$0x8890]  }
0x1d3: {  	[tilespmem:s6+$0x84B0] =	vst v4;
	v10 =	vmul.f32 v11, v3;
	v4 =	vld [tilespmem:s6+$0x88A0]  }
0x1d4: {  	s18 =	sadd.s32 $0x800, s18;
	s19 =	sadd.s32 $0x100, s19;
	[tilespmem:s6+$0x84C0] =	vst v9;
	v9 =	vmul.f32 v6, v3;
	v6 =	vld [tilespmem:s6+$0x88B0]  }
0x1d5: {  	[tilespmem:s6+$0x84D0] =	vst v10;
	v8 =	vmul.f32 v8, v3;
	v61 =	vld [tilespmem:s6+$0x88C0]  }
0x1d6: {  	v62 =	vld [tilespmem:s6+$0x88D0];
	[tilespmem:s6+$0x84E0] =	vst v9;
	v7 =	vmul.f32 v7, v3  }
0x1d7: {  	v63 =	vld [tilespmem:s6+$0x88E0];
	[tilespmem:s6+$0x84F0] =	vst v8;
	v5 =	vmul.f32 v5, v3  }
0x1d8: {  	s30 =	sadd.s32 $0x1, s30;
	[tilespmem:s6+$0x8880] =	vst v7;
	v4 =	vmul.f32 v4, v3  }
0x1d9: {  	p0 =	sne.s32 s30, $0x14;
	[tilespmem:s6+$0x8890] =	vst v5;
	v5 =	vmul.f32 v6, v3  }
.Ltmp5:
0x1da: {  	[tilespmem:s6+$0x88A0] =	vst v4;
	v4 =	vmul.f32 v61, v3;
	(pc) =	sbr.rel @p0 .LBB2_6-.Ltmp5, $4  }
0x1db: {  	[tilespmem:s6+$0x88B0] =	vst v5;
	v5 =	vmul.f32 v62, v3  }
0x1dc: {  	[tilespmem:s6+$0x88C0] =	vst v4;
	v4 =	vmul.f32 v63, v3  }
0x1dd: {  	[tilespmem:s6+$0x88D0] =	vst v5  }
0x1de: {  	[tilespmem:s6+$0x88E0] =	vst v4  }
0x1df: {  	s4 =	simm.s32 $0x0;
	s6 =	rddreg [dreg:$0x7]  }
0x1e0: {  	[hbm4b:s6+s4] =	stream.linear.scatter [tilespmem:s15], [sflag:$0x5], $0x8000, $0x38;
	[tilespmem:$0x18480] =	vst v63  }
0x1e1: {  	_ =	swait.ge [sflag:s2], $0x8000  }
0x1e2: {  	[sflag:s2] =	ssyncset.done $0x0  }
0x1e3: {  	[sflag:s2] =	ssyncadd.s32 $0xFFFF8000  }
0x1e4: {  	v4 =	vld [tilespmem:$0x3F0];
	_ =	sdelay $0x4  }
0x1e5: {  	v5 =	vshll.u32 v4, $0x4  }
0x1e6: {  	v4 =	vand.u32 $0x7, v4;
	v5 =	vand.u32 $0xFFFFFF80, v5  }
0x1e7: {  	v4 =	vor.u32 v4, v5  }
0x1e8: {  	v5 =	vperm.xlane v4, v0;
	_ =	sdelay $0x1  }
0x1e9: {  	v5 =	vadd.s32 v1, v5;
	_ =	sdelay $0x4  }
0x1ea: {  	[tilespmem:s24], [sflag:$0x1] =	stream.indirect_vreg.gather [hbm4b:s1+s4], $0x80, v5, vm0, $0xb8;
	[tilespmem:$0x18480] =	vst v63  }
0x1eb: {  	s7 =	simm.s32 $0xC80  }
0x1ec: {  	[tilespmem:s7], [sflag:$0x1] =	stream.indirect_vreg.gather [hbm4b:s8+s4], $0x80, v5, vm0, $0xb8;
	[tilespmem:$0x18480] =	vst v63  }
0x1ed: {  	s18 =	simm.s32 $0x1480  }
0x1ee: {  	[tilespmem:s18], [sflag:$0x1] =	stream.indirect_vreg.gather [hbm4b:s9+s4], $0x80, v5, vm0, $0xb8;
	[tilespmem:$0x18480] =	vst v63  }
0x1ef: {  	s19 =	simm.s32 $0x1C80  }
0x1f0: {  	[tilespmem:s19], [sflag:$0x1] =	stream.indirect_vreg.gather [hbm4b:s10+s4], $0x80, v5, vm0, $0xb8;
	[tilespmem:$0x18480] =	vst v63  }
0x1f1: {  	s20 =	simm.s32 $0x2480  }
0x1f2: {  	[tilespmem:s20], [sflag:$0x1] =	stream.indirect_vreg.gather [hbm4b:s11+s4], $0x80, v5, vm0, $0xb8;
	[tilespmem:$0x18480] =	vst v63  }
0x1f3: {  	s21 =	simm.s32 $0x2C80;
	v4 =	vperm.xlane v4, v2  }
0x1f4: {  	[tilespmem:s21], [sflag:$0x1] =	stream.indirect_vreg.gather [hbm4b:s12+s4], $0x80, v5, vm0, $0xb8;
	[tilespmem:$0x18480] =	vst v63  }
0x1f5: {  	s26 =	simm.s32 $0x3480;
	v4 =	vadd.s32 v1, v4  }
0x1f6: {  	[tilespmem:s26], [sflag:$0x1] =	stream.indirect_vreg.gather [hbm4b:s13+s4], $0x80, v5, vm0, $0xb8;
	[tilespmem:$0x18480] =	vst v63  }
0x1f7: {  	s30 =	simm.s32 $0x3C80  }
0x1f8: {  	[tilespmem:s30], [sflag:$0x1] =	stream.indirect_vreg.gather [hbm4b:s14+s4], $0x80, v5, vm0, $0xb8;
	[tilespmem:$0x18480] =	vst v63  }
0x1f9: {  	s31 =	simm.s32 $0x4480  }
0x1fa: {  	[tilespmem:s31], [sflag:$0x1] =	stream.indirect_vreg.gather [hbm4b:s1+s4], $0x80, v4, vm0, $0xb8;
	[tilespmem:$0x18480] =	vst v63  }
0x1fb: {  	s7 =	simm.s32 $0x4C80  }
0x1fc: {  	[tilespmem:s7], [sflag:$0x1] =	stream.indirect_vreg.gather [hbm4b:s8+s4], $0x80, v4, vm0, $0xb8;
	[tilespmem:$0x18480] =	vst v63  }
0x1fd: {  	s18 =	simm.s32 $0x5480  }
0x1fe: {  	[tilespmem:s18], [sflag:$0x1] =	stream.indirect_vreg.gather [hbm4b:s9+s4], $0x80, v4, vm0, $0xb8;
	[tilespmem:$0x18480] =	vst v63  }
0x1ff: {  	s19 =	simm.s32 $0x5C80  }
0x200: {  	[tilespmem:s19], [sflag:$0x1] =	stream.indirect_vreg.gather [hbm4b:s10+s4], $0x80, v4, vm0, $0xb8;
	[tilespmem:$0x18480] =	vst v63  }
0x201: {  	s20 =	simm.s32 $0x6480  }
0x202: {  	[tilespmem:s20], [sflag:$0x1] =	stream.indirect_vreg.gather [hbm4b:s11+s4], $0x80, v4, vm0, $0xb8;
	[tilespmem:$0x18480] =	vst v63  }
0x203: {  	s21 =	simm.s32 $0x6C80  }
0x204: {  	[tilespmem:s21], [sflag:$0x1] =	stream.indirect_vreg.gather [hbm4b:s12+s4], $0x80, v4, vm0, $0xb8;
	[tilespmem:$0x18480] =	vst v63  }
0x205: {  	s26 =	simm.s32 $0x7480  }
0x206: {  	[tilespmem:s26], [sflag:$0x1] =	stream.indirect_vreg.gather [hbm4b:s13+s4], $0x80, v4, vm0, $0xb8;
	[tilespmem:$0x18480] =	vst v63  }
0x207: {  	s30 =	simm.s32 $0x7C80;
	s31 =	sand.u32 $0x4000, s4  }
0x208: {  	[tilespmem:s30], [sflag:$0x1] =	stream.indirect_vreg.gather [hbm4b:s14+s4], $0x80, v4, vm0, $0xb8;
	[tilespmem:$0x18480] =	vst v63  }
0x209: {  	s7 =	simm.s32 $0x0;
	s4 =	sand.u32 $0x3800, s4;
	_ =	swait.ge [sflag:s28], $0x8000  }
0x20a: {  	s18 =	sand.u32 $0x380, s7;
	s4 =	sor.u32 s4, s31;
	[sflag:s28] =	ssyncset.done $0x0  }
0x20b: {  	s4 =	sor.u32 s4, s18;
	[sflag:s28] =	ssyncadd.s32 $0xFFFF8000  }
0x20c: {  	s6 =	sadd.s32 $0x10480, s4;
	v4 =	vld [tilespmem:s4+$0x10480]  }
0x20d: {  	v5 =	vld [tilespmem:s6+$0x470]  }
0x20e: {  	v6 =	vld [tilespmem:s6+$0x10]  }
0x20f: {  	v7 =	vld [tilespmem:s6+$0x20]  }
0x210: {  	v9 =	vld [tilespmem:s6+$0x30]  }
0x211: {  	v10 =	vld [tilespmem:s6+$0x40];
	v4 =	vmul.f32 v4, v3  }
0x212: {  	v11 =	vld [tilespmem:s6+$0x50];
	v5 =	vmul.f32 v5, v3  }
0x213: {  	v12 =	vld [tilespmem:s6+$0x60];
	[tilespmem:s4+$0x10480] =	vst v4;
	v4 =	vmul.f32 v6, v3  }
0x214: {  	v8 =	vld [tilespmem:s6+$0x70];
	v6 =	vmul.f32 v7, v3;
	[tilespmem:s6+$0x470] =	vst v5  }
0x215: {  	v7 =	vld [tilespmem:s6+$0x400];
	[tilespmem:s6+$0x10] =	vst v4;
	v4 =	vmul.f32 v9, v3  }
0x216: {  	v5 =	vmul.f32 v10, v3;
	[tilespmem:s6+$0x20] =	vst v6;
	v6 =	vld [tilespmem:s6+$0x410]  }
0x217: {  	v10 =	vmul.f32 v11, v3;
	[tilespmem:s6+$0x30] =	vst v4;
	v4 =	vld [tilespmem:s6+$0x420]  }
0x218: {  	s19 =	simm.s32 $0x100;
	s18 =	simm.s32 $0x800;
	[tilespmem:s6+$0x40] =	vst v5;
	v9 =	vmul.f32 v12, v3;
	v5 =	vld [tilespmem:s6+$0x430]  }
.LBB2_14:
0x219: {  	s7 =	sadd.s32 $0x10, s7;
	s4 =	sand.u32 $0x4000, s19;
	s20 =	sand.u32 $0x3800, s18;
	[tilespmem:s6+$0x50] =	vst v10;
	v8 =	vmul.f32 v8, v3;
	v10 =	vld [tilespmem:s6+$0x440]  }
0x21a: {  	s21 =	sand.u32 $0x380, s7;
	s4 =	sor.u32 s20, s4;
	p0 =	slt.u32 s7, $0x7F0;
	[tilespmem:s6+$0x60] =	vst v9;
	v7 =	vmul.f32 v7, v3;
	v9 =	vld [tilespmem:s6+$0x450]  }
0x21b: {  	s4 =	sor.u32 s4, s21;
	[tilespmem:s6+$0x70] =	vst v8;
	v6 =	vmul.f32 v6, v3;
	v8 =	vld [tilespmem:s6+$0x460]  }
0x21c: {  	s20 =	sadd.s32 $0x10480, s4;
	v11 =	vld [tilespmem:s4+$0x10480];
	[tilespmem:s6+$0x400] =	vst v7;
	v4 =	vmul.f32 v4, v3  }
0x21d: {  	v7 =	vld [tilespmem:s20+$0x470];
	[tilespmem:s6+$0x410] =	vst v6;
	v5 =	vmul.f32 v5, v3  }
0x21e: {  	v6 =	vld [tilespmem:s20+$0x10];
	[tilespmem:s6+$0x420] =	vst v4;
	v4 =	vmul.f32 v10, v3  }
0x21f: {  	v10 =	vld [tilespmem:s20+$0x20];
	[tilespmem:s6+$0x430] =	vst v5;
	v5 =	vmul.f32 v9, v3  }
0x220: {  	v9 =	vld [tilespmem:s20+$0x30];
	[tilespmem:s6+$0x440] =	vst v4;
	v4 =	vmul.f32 v8, v3  }
0x221: {  	v8 =	vmul.f32 v11, v3;
	v11 =	vld [tilespmem:s20+$0x40];
	[tilespmem:s6+$0x450] =	vst v5  }
0x222: {  	v5 =	vld [tilespmem:s20+$0x50];
	v7 =	vmul.f32 v7, v3;
	[tilespmem:s6+$0x460] =	vst v4;
	s6 =	smov.u32 s20  }
0x223: {  	[tilespmem:s4+$0x10480] =	vst v8;
	v4 =	vmul.f32 v6, v3;
	v12 =	vld [tilespmem:s6+$0x60]  }
.Ltmp6:
0x224: {  	v6 =	vmul.f32 v10, v3;
	v8 =	vld [tilespmem:s6+$0x70];
	[tilespmem:s6+$0x470] =	vst v7;
	(pc) =	sbr.rel @p0 .LBB2_14-.Ltmp6, $4  }
0x225: {  	[tilespmem:s6+$0x10] =	vst v4;
	v4 =	vmul.f32 v9, v3;
	v7 =	vld [tilespmem:s6+$0x400]  }
0x226: {  	[tilespmem:s6+$0x20] =	vst v6;
	v9 =	vmul.f32 v11, v3;
	v6 =	vld [tilespmem:s6+$0x410]  }
0x227: {  	[tilespmem:s6+$0x30] =	vst v4;
	v10 =	vmul.f32 v5, v3;
	v4 =	vld [tilespmem:s6+$0x420]  }
0x228: {  	s18 =	sadd.s32 $0x800, s18;
	s19 =	sadd.s32 $0x100, s19;
	[tilespmem:s6+$0x40] =	vst v9;
	v9 =	vmul.f32 v12, v3;
	v5 =	vld [tilespmem:s6+$0x430]  }
0x229: {  	[tilespmem:s6+$0x50] =	vst v10;
	v8 =	vmul.f32 v8, v3;
	v10 =	vld [tilespmem:s6+$0x440]  }
0x22a: {  	[tilespmem:s6+$0x60] =	vst v9;
	v7 =	vmul.f32 v7, v3;
	v9 =	vld [tilespmem:s6+$0x450]  }
0x22b: {  	[tilespmem:s6+$0x70] =	vst v8;
	v6 =	vmul.f32 v6, v3;
	v8 =	vld [tilespmem:s6+$0x460]  }
0x22c: {  	[tilespmem:s6+$0x400] =	vst v7;
	v4 =	vmul.f32 v4, v3  }
0x22d: {  	[tilespmem:s6+$0x410] =	vst v6;
	v5 =	vmul.f32 v5, v3  }
0x22e: {  	[tilespmem:s6+$0x420] =	vst v4;
	v4 =	vmul.f32 v10, v3  }
0x22f: {  	[tilespmem:s6+$0x430] =	vst v5;
	v5 =	vmul.f32 v9, v3  }
0x230: {  	[tilespmem:s6+$0x440] =	vst v4;
	v4 =	vmul.f32 v8, v3  }
0x231: {  	[tilespmem:s6+$0x450] =	vst v5  }
0x232: {  	[tilespmem:s6+$0x460] =	vst v4  }
0x233: {  	s4 =	simm.s32 $0x0;
	s6 =	rddreg [dreg:$0x8]  }
0x234: {  	[hbm4b:s6+s4] =	stream.linear.scatter [tilespmem:s25], [sflag:$0x6], $0x8000, $0x38;
	[tilespmem:$0x18480] =	vst v63  }
0x235: {  	_ =	swait.ge [sflag:s0], $0x8000  }
0x236: {  	[sflag:s0] =	ssyncset.done $0x0  }
0x237: {  	s7 =	simm.s32 $0x0;
	[sflag:s0] =	ssyncadd.s32 $0xFFFF8000  }
0x238: {  	s31 =	sand.u32 $0x4000, s4;
	s4 =	sand.u32 $0x3800, s4;
	_ =	swait.ge [sflag:s22], $0x8000  }
0x239: {  	s18 =	sand.u32 $0x380, s7;
	s4 =	sor.u32 s4, s31;
	[sflag:s22] =	ssyncset.done $0x0  }
0x23a: {  	s6 =	sor.u32 s4, s18;
	[sflag:s22] =	ssyncadd.s32 $0xFFFF8000  }
0x23b: {  	v4 =	vld [tilespmem:s6+$0x8F0]  }
0x23c: {  	v5 =	vld [tilespmem:s6+$0x480]  }
0x23d: {  	v6 =	vld [tilespmem:s6+$0x490]  }
0x23e: {  	v7 =	vld [tilespmem:s6+$0x4A0]  }
0x23f: {  	v9 =	vld [tilespmem:s6+$0x4B0]  }
0x240: {  	v10 =	vld [tilespmem:s6+$0x4C0];
	v4 =	vmul.f32 v4, v3  }
0x241: {  	v11 =	vld [tilespmem:s6+$0x4D0];
	v5 =	vmul.f32 v5, v3  }
0x242: {  	v12 =	vld [tilespmem:s6+$0x4E0];
	v6 =	vmul.f32 v6, v3;
	[tilespmem:s6+$0x8F0] =	vst v4  }
0x243: {  	v8 =	vld [tilespmem:s6+$0x4F0];
	[tilespmem:s6+$0x480] =	vst v5;
	v4 =	vmul.f32 v7, v3  }
0x244: {  	[tilespmem:s6+$0x490] =	vst v6;
	v6 =	vmul.f32 v9, v3;
	v7 =	vld [tilespmem:s6+$0x880]  }
0x245: {  	v9 =	vmul.f32 v10, v3;
	v5 =	vld [tilespmem:s6+$0x890];
	[tilespmem:s6+$0x4A0] =	vst v4  }
0x246: {  	v10 =	vmul.f32 v11, v3;
	[tilespmem:s6+$0x4B0] =	vst v6;
	v4 =	vld [tilespmem:s6+$0x8A0]  }
0x247: {  	s19 =	simm.s32 $0x100;
	s18 =	simm.s32 $0x800;
	[tilespmem:s6+$0x4C0] =	vst v9;
	v9 =	vmul.f32 v12, v3;
	v6 =	vld [tilespmem:s6+$0x8B0]  }
.LBB2_16:
0x248: {  	s7 =	sadd.s32 $0x10, s7;
	s4 =	sand.u32 $0x4000, s19;
	s20 =	sand.u32 $0x3800, s18;
	[tilespmem:s6+$0x4D0] =	vst v10;
	v8 =	vmul.f32 v8, v3;
	v10 =	vld [tilespmem:s6+$0x8C0]  }
0x249: {  	s21 =	sand.u32 $0x380, s7;
	s4 =	sor.u32 s20, s4;
	p0 =	slt.u32 s7, $0x7F0;
	[tilespmem:s6+$0x4E0] =	vst v9;
	v7 =	vmul.f32 v7, v3;
	v9 =	vld [tilespmem:s6+$0x8D0]  }
0x24a: {  	s4 =	sor.u32 s4, s21;
	[tilespmem:s6+$0x4F0] =	vst v8;
	v5 =	vmul.f32 v5, v3;
	v8 =	vld [tilespmem:s6+$0x8E0]  }
0x24b: {  	v11 =	vld [tilespmem:s4+$0x8F0];
	[tilespmem:s6+$0x880] =	vst v7;
	v4 =	vmul.f32 v4, v3  }
0x24c: {  	v7 =	vld [tilespmem:s4+$0x480];
	[tilespmem:s6+$0x890] =	vst v5;
	v5 =	vmul.f32 v6, v3  }
0x24d: {  	v6 =	vld [tilespmem:s4+$0x490];
	[tilespmem:s6+$0x8A0] =	vst v4;
	v4 =	vmul.f32 v10, v3  }
0x24e: {  	v10 =	vld [tilespmem:s4+$0x4A0];
	[tilespmem:s6+$0x8B0] =	vst v5;
	v5 =	vmul.f32 v9, v3  }
0x24f: {  	v9 =	vld [tilespmem:s4+$0x4B0];
	[tilespmem:s6+$0x8C0] =	vst v4;
	v4 =	vmul.f32 v8, v3  }
0x250: {  	v12 =	vld [tilespmem:s4+$0x4C0];
	v8 =	vmul.f32 v11, v3;
	[tilespmem:s6+$0x8D0] =	vst v5  }
0x251: {  	v5 =	vmul.f32 v7, v3;
	v11 =	vld [tilespmem:s4+$0x4D0];
	[tilespmem:s6+$0x8E0] =	vst v4;
	s6 =	smov.u32 s4  }
0x252: {  	v4 =	vmul.f32 v6, v3;
	v6 =	vld [tilespmem:s6+$0x4E0];
	[tilespmem:s6+$0x8F0] =	vst v8  }
.Ltmp7:
0x253: {  	[tilespmem:s6+$0x480] =	vst v5;
	v5 =	vmul.f32 v10, v3;
	v8 =	vld [tilespmem:s6+$0x4F0];
	(pc) =	sbr.rel @p0 .LBB2_16-.Ltmp7, $4  }
0x254: {  	[tilespmem:s6+$0x490] =	vst v4;
	v4 =	vmul.f32 v9, v3;
	v7 =	vld [tilespmem:s6+$0x880]  }
0x255: {  	[tilespmem:s6+$0x4A0] =	vst v5;
	v9 =	vmul.f32 v12, v3;
	v5 =	vld [tilespmem:s6+$0x890]  }
0x256: {  	[tilespmem:s6+$0x4B0] =	vst v4;
	v10 =	vmul.f32 v11, v3;
	v4 =	vld [tilespmem:s6+$0x8A0]  }
0x257: {  	s18 =	sadd.s32 $0x800, s18;
	s19 =	sadd.s32 $0x100, s19;
	[tilespmem:s6+$0x4C0] =	vst v9;
	v9 =	vmul.f32 v6, v3;
	v6 =	vld [tilespmem:s6+$0x8B0]  }
0x258: {  	[tilespmem:s6+$0x4D0] =	vst v10;
	v8 =	vmul.f32 v8, v3;
	v58 =	vld [tilespmem:s6+$0x8C0]  }
0x259: {  	v59 =	vld [tilespmem:s6+$0x8D0];
	[tilespmem:s6+$0x4E0] =	vst v9;
	v7 =	vmul.f32 v7, v3  }
0x25a: {  	v60 =	vld [tilespmem:s6+$0x8E0];
	[tilespmem:s6+$0x4F0] =	vst v8;
	v5 =	vmul.f32 v5, v3  }
0x25b: {  	[tilespmem:s6+$0x880] =	vst v7;
	v4 =	vmul.f32 v4, v3  }
0x25c: {  	[tilespmem:s6+$0x890] =	vst v5;
	v61 =	vmul.f32 v6, v3  }
0x25d: {  	[tilespmem:s6+$0x8A0] =	vst v4;
	v62 =	vmul.f32 v58, v3  }
0x25e: {  	v63 =	vmul.f32 v59, v3;
	[tilespmem:s6+$0x8B0] =	vst v61  }
0x25f: {  	v3 =	vmul.f32 v60, v3;
	[tilespmem:s6+$0x8C0] =	vst v62  }
0x260: {  	[tilespmem:s6+$0x8D0] =	vst v63  }
0x261: {  	[tilespmem:s6+$0x8E0] =	vst v3  }
0x262: {  	s4 =	simm.s32 $0x0;
	s6 =	rddreg [dreg:$0x9]  }
0x263: {  	[hbm4b:s6+s4] =	stream.linear.scatter [tilespmem:s24], [sflag:$0x4], $0x8000, $0x38;
	[tilespmem:$0x18480] =	vst v63  }
0x264: {  	_ =	swait.ge [sflag:s23], $0x8000  }
0x265: {  	[sflag:s23] =	ssyncset.done $0x0  }
0x266: {  	[sflag:s23] =	ssyncadd.s32 $0xFFFF8000  }
0x267: {  	_ =	swait.ge [sflag:s2], $0x8000  }
0x268: {  	s7 =	rddreg [dreg:$0xb]  }
0x269: {  	s31 =	rddreg [dreg:$0xa];
	s7 =	sadd.s32 $0x1, s7  }
0x26a: {  	p0 =	sne.s32 s7, s31  }
.Ltmp8:
0x26b: {  	_ = 	snop;
	(pc) =	sbr.rel @p0 .LBB2_1-.Ltmp8, $3  }
0x26c: {  	_ =	sdelay $0x1  }
0x26d: {  	[sflag:s2] =	ssyncset.done $0x0  }
0x26e: {  	[sflag:s2] =	ssyncadd.s32 $0xFFFF8000  }
0x26f: {  	_ =	sfence.sel $0x180000  }
0x270: {  	[bflag:$0x0] =	sbarrier.arrive $0xFFFF  }
0x271: {  	_ =	strace $0x90000047  }
0x272: {  	s0 =	stileid.u32;
	[bflag:$0x2] =	sbarrier.arrive $0xFFFF  }
0x273: {  	p0 =	sne.s32 s0, $0x0;
	s0 =	rddreg [dreg:$0x3]  }
0x274: {  	s0 =	sadd.s32 @!p0 $0x100000, s0  }
0x275: {  	[sflag:s0] =	ssyncadd.tile.s32 @!p0 $0x1;
	_ =	shalt  }
.Lfunc_end2:
_tile_overlayer_lowered:
.L_overlay_start_2:
0x276: {  	(tag) =	ssettag $0x2  }
0x277: {  	s0 =	rddreg [dreg:$0x0];
	s2 =	stileid.u32  }
0x278: {  	s1 =	rddreg [dreg:$0x1];
	p0 =	sne.s32 s2, $0x0  }
0x279: {  	s3 =	rddreg [dreg:$0x2];
	[bflag:$0x3] =	sbarrier.arrive $0xFFFF;
	s2 =	simm.s32 @!p0 $0x1C07  }
0x27a: {  	[timem:s3], [sflag:s2] =	dma.local @!p0 [hbm:s0], s1  }
0x27b: {  	s0 =	simm.s32 @!p0 $0x7  }
0x27c: {  	_ =	swait.ge @!p0 [sflag:s0], s1  }
0x27d: {  	s1 =	ssub.s32 @!p0 $0x0, s1;
	[sflag:s0] =	ssyncset.done @!p0 $0x0  }
0x27e: {  	[sflag:s0] =	ssyncadd.s32 @!p0 s1  }
0x27f: {  	[bflag:$0x3] =	sbarrier.arrive $0xFFFF  }
0x280: {  	_ =	shalt  }

</sc_bundles>
